<compile_context>
chip_gen: v7x
topology: tpu7x:2x2x1
jax: 0.10.2.dev20260603
libtpu: 0.0.44.dev20260713+nightly
codegen_flags: <defaults>
</compile_context>

<pallas_src>
import functools

import jax
import jax.numpy as jnp
import numpy as np
from jax import lax
from jax.experimental import pallas as pl
from jax.experimental.pallas import tpu as pltpu
from jax.experimental.pallas import tpu_sc as plsc

_H = 224
_NH = 28
_NGROUPS = 16
_GSIZE = 3 * _NH * _NH
_NCHUNK = _GSIZE // 16
_GSTRIDE = 3072
_LOG2E = 1.4426950408889634

def _resize_weights(in_size, out_size):
    inv_scale = np.float32(in_size / out_size)
    sample_f = (np.arange(out_size, dtype=np.float32) + np.float32(0.5)) * inv_scale
    sample_f = sample_f - np.float32(0.5)
    x = np.abs(sample_f[None, :] - np.arange(in_size, dtype=np.float32)[:, None])
    w = np.maximum(np.float32(0), np.float32(1) - x / inv_scale).astype(np.float32)
    total = w.sum(axis=0, keepdims=True, dtype=np.float32)
    return (w / total).astype(np.float32)


_W_RESIZE = _resize_weights(_H, _NH)



def _resize_body(x_ref, w_ref, o_ref):
    x = x_ref[...]
    w = w_ref[...]
    hi = jax.lax.Precision.HIGHEST
    y = lax.dot_general(x, w, (((2,), (0,)), ((), ())), precision=hi)
    r = lax.dot_general(y, w, (((1,), (0,)), ((), ())), precision=hi)
    r2 = r.reshape(3 * _NH, _NH)
    for i in range(3 * _NH):
        o_ref[pl.ds(i * _NH, _NH)] = r2[i]


def _resize_tc(x_flat):
    return pl.pallas_call(
        _resize_body,
        grid=(_NGROUPS,),
        in_specs=[
            pl.BlockSpec((3, _H, _H), lambda p: (4 * p, 0, 0)),
            pl.BlockSpec((_H, _NH), lambda p: (0, 0)),
        ],
        out_specs=pl.BlockSpec((_GSTRIDE,), lambda p: (p,)),
        out_shape=jax.ShapeDtypeStruct((_NGROUPS * _GSTRIDE,), jnp.float32),
    )(x_flat, jnp.asarray(_W_RESIZE))



def _plogp(p):
    bits = plsc.bitcast(p, jnp.int32)
    e_exp = ((bits >> 23) & 0xFF).astype(jnp.float32) - 127.0
    mant = plsc.bitcast((bits & 0x007FFFFF) | 0x3F800000, jnp.float32)
    z = (mant - 1.0) / (mant + 1.0)
    z2 = z * z
    lnm = 2.0 * z * (1.0 + z2 * (1.0 / 3 + z2 * (1.0 / 5 + z2 * (1.0 / 7 + z2 / 9))))
    return p * (e_exp + lnm * _LOG2E)


@functools.cache
def _make_sc_hist_entropy():
    mesh = plsc.VectorSubcoreMesh(core_axis_name="c", subcore_axis_name="s")
    return pl.kernel(
        _sc_body,
        out_type=jax.ShapeDtypeStruct((_NGROUPS * 16,), jnp.float32),
        mesh=mesh,
        compiler_params=pltpu.CompilerParams(needs_layout_passes=False),
        scratch_types=[
            pltpu.VMEM((_GSIZE,), jnp.float32),
            pltpu.VMEM((512,), jnp.float32),
            pltpu.VMEM((16,), jnp.float32),
        ],
    )


def _sc_body(vals_hbm, out_hbm, vals_v, bins_v, evec_v):
    cid = lax.axis_index("c")
    sid = lax.axis_index("s")

    @pl.when(cid == 0)
    def _work():
        pltpu.sync_copy(vals_hbm.at[pl.ds(sid * _GSTRIDE, _GSIZE)], vals_v)

        v0 = vals_v[pl.ds(0, 16)]

        def _mm(i, carry):
            vmn, vmx = carry
            v = vals_v[pl.ds(i * 16, 16)]
            return jnp.minimum(vmn, v), jnp.maximum(vmx, v)

        vmn, vmx = lax.fori_loop(1, _NCHUNK, _mm, (v0, v0))
        lane = lax.iota(jnp.int32, 16)

        def _allreduce(v, op):
            for s in (1, 2, 4, 8):
                v = op(v, v.at[lane ^ s].get(mode="promise_in_bounds"))
            return v

        mn = _allreduce(vmn, jnp.minimum)
        mx = _allreduce(vmx, jnp.maximum)
        scale = 30.0 / (mx - mn)

        zero16 = jnp.zeros((16,), jnp.float32)
        for b in range(32):
            bins_v[pl.ds(b * 16, 16)] = zero16
        lane32 = lax.iota(jnp.int32, 16) * 32
        ones16 = jnp.ones((16,), jnp.float32)

        def _hist(i, carry):
            v = vals_v[pl.ds(i * 16, 16)]
            idx = jnp.clip(((v - mn) * scale).astype(jnp.int32), 0, 29)
            plsc.addupdate_scatter(bins_v, [lane32 + idx], ones16)
            return carry

        lax.fori_loop(0, _NCHUNK, _hist, 0)

        h0 = bins_v[pl.ds(0, 16)]
        h1 = bins_v[pl.ds(16, 16)]
        for j in range(1, 16):
            h0 = h0 + bins_v[pl.ds(j * 32, 16)]
            h1 = h1 + bins_v[pl.ds(j * 32 + 16, 16)]

        m = _allreduce(jnp.maximum(h0, h1), jnp.maximum)
        nzero0 = plsc.all_reduce_population_count(h0 == 0.0)
        nzero1 = plsc.all_reduce_population_count(jnp.logical_and(h1 == 0.0, lane < 14))
        anyzero = (nzero0 + nzero1) > 0
        inv = 1.0 / (m + 0.0001)
        ent = -_allreduce(_plogp(h0 * inv) + _plogp(h1 * inv), jnp.add)
        e = jnp.where(anyzero, jnp.float32(1.0), ent)

        evec_v[...] = e
        pltpu.sync_copy(evec_v, out_hbm.at[pl.ds(sid * 16, 16)])



def kernel(tensor):
    x = tensor.reshape(192, _H, _H)
    vals = _resize_tc(x)
    ents = _make_sc_hist_entropy()(vals)
    return jnp.sum(ents.reshape(_NGROUPS, 16)[:, 0]) * jnp.float32(1.0 / 160.0)

# --- scband reference (transcript-rebuilt; emitter-appended) ---
"""Pipeline reference for scband-ent-69853348102921 (READ-ONLY COPY).

The authoritative reference and input builder live on the scoring server;
editing this copy changes nothing except your own understanding.
"""

import jax, jax.numpy as jnp
import numpy as np


def _calculate_entropy(p):
    return -jnp.sum(p * jnp.log2(p))


def _entropy(emd, maxENT=1.0):
    # emd: (T, C, nH, nW)
    t = emd.shape[0]
    ents = []
    for v in range(0, t, 4):
        h, _ = jnp.histogram(emd[v].ravel(), bins=30)
        h = h.astype(jnp.float32)
        p = h / (jnp.max(h) + 0.0001)
        e = jnp.nan_to_num(_calculate_entropy(p), nan=maxENT)
        ents.append(e)
    return jnp.mean(jnp.stack(ents)) / 10.0


def setup_inputs(seed: int = 0) -> dict:
    key = jax.random.key(seed)
    tensor = jax.random.normal(key, (4, 3, 16, 224, 224), dtype=jnp.float32)
    return {"tensor": tensor}


def reference(tensor):
    B, C, T, H, W = tensor.shape
    new_H = H // 8
    new_W = W // 8
    # Faithful to torch: raw .view (row-major reshape), NOT a transpose.
    x = tensor.reshape(B * T, C, H, W)
    # Bilinear resize with half-pixel centers == torch align_corners=False
    x = jax.image.resize(x, (B * T, C, new_H, new_W), method="bilinear")
    x = x.reshape(B, T, C, new_H, new_W)
    ents = 0.0
    for i in range(B):
        ents = ents + _entropy(jax.lax.stop_gradient(x[i]))
    ents = ents / B
    return jnp.asarray(ents, dtype=jnp.float32)

if __name__ == "__main__":
    import jax
    _d = setup_inputs()
    print(jax.jit(kernel)(*tuple(_d.values())))

</pallas_src>

<mosaic_0001>
#map = affine_map<(d0, d1) -> (0)>
module attributes {stable_mosaic.version = 14 : i64} {
  func.func @_sc_body(%arg0: i32, %arg1: i32, %arg2: memref<49152xf32, #tpu.memory_space<hbm>>, %arg3: memref<256xf32, #tpu.memory_space<hbm>>, %arg4: memref<2352xf32, #tpu.memory_space<vmem>>, %arg5: memref<512xf32, #tpu.memory_space<vmem>>, %arg6: memref<16xf32, #tpu.memory_space<vmem>>) attributes {dimension_semantics = [#tpu.dimension_semantics<core_parallel>, #tpu.dimension_semantics<subcore_parallel>], iteration_bounds = array<i64: 2, 16>, scalar_prefetch = 0 : i64, scratch_operands = 3 : i64, tpu.core_type = #tpu.core_type<sc_vector_subcore>, window_params = [{transform_indices = #map}, {transform_indices = #map}]} {
    %eq3A = arith.constant 0 : i32
    %eq3A_0 = arith.cmpi eq, %arg0, %eq3A : i32
    %convert_element_type3A = arith.extui %eq3A_0 : i1 to i32
    %cond3A = arith.constant 0 : i32
    %cond3A_1 = arith.cmpi ne, %convert_element_type3A, %cond3A : i32
    scf.if %cond3A_1 {
      %mul3A = arith.constant 3072 : i32
      %mul3A_2 = arith.muli %arg1, %mul3A : i32
      "tpu.region"() ({
        %run_scoped3A = tpu.sem_alloc : memref<!tpu.dma_semaphore, #tpu.memory_space<semaphore_mem>>
        %dma_start3A = tpu.memref_slice %arg2[%mul3A_2] : memref<49152xf32, #tpu.memory_space<hbm>> -> memref<2352xf32, #tpu.memory_space<hbm>>
        %dma_start3A_532 = tpu.memref_slice %arg2[%mul3A_2] : memref<49152xf32, #tpu.memory_space<hbm>> -> memref<2352xf32, #tpu.memory_space<hbm>>
        tpu.enqueue_dma source(%dma_start3A_532 : memref<2352xf32, #tpu.memory_space<hbm>>) target(%arg4 : memref<2352xf32, #tpu.memory_space<vmem>>) target_semaphore(%run_scoped3A : memref<!tpu.dma_semaphore, #tpu.memory_space<semaphore_mem>>)
        %dma_wait3A = tpu.memref_slice %arg2[%mul3A_2] : memref<49152xf32, #tpu.memory_space<hbm>> -> memref<2352xf32, #tpu.memory_space<hbm>>
        %dma_wait3A_533 = tpu.memref_slice %arg2[%mul3A_2] : memref<49152xf32, #tpu.memory_space<hbm>> -> memref<2352xf32, #tpu.memory_space<hbm>>
        tpu.wait_dma2 semaphore(%run_scoped3A : memref<!tpu.dma_semaphore, #tpu.memory_space<semaphore_mem>>) src(%dma_wait3A_533 : memref<2352xf32, #tpu.memory_space<hbm>>) dst(%arg4 : memref<2352xf32, #tpu.memory_space<vmem>>)
        tpu.yield
      }) : () -> ()
      %get3A = arith.constant 0 : index
      %get3A_3 = tpu.vector_load %arg4[%get3A] {strides = array<i32>} : memref<2352xf32, #tpu.memory_space<vmem>>, vector<16xf32>,
      %scan3A = arith.constant 1 : i32
      %scan3A_4 = arith.constant 146 : i32
      %scan3A_5 = arith.addi %scan3A, %scan3A_4 : i32
      %scan3A_6 = arith.constant 1 : i32
      %scan3A_7:2 = scf.for %scan3A_532 = %scan3A to %scan3A_5 step %scan3A_6 iter_args(%scan3A_533 = %get3A_3, %scan3A_534 = %get3A_3) -> (vector<16xf32>, vector<16xf32>)  : i32 {
        %mul3A_535 = arith.constant 16 : i32
        %mul3A_536 = arith.muli %scan3A_532, %mul3A_535 : i32
        %get3A_537 = arith.index_cast %mul3A_536 : i32 to index
        %get3A_538 = tpu.vector_load %arg4[%get3A_537] {strides = array<i32>} : memref<2352xf32, #tpu.memory_space<vmem>>, vector<16xf32>,
        %min3A_539 = arith.minimumf %scan3A_533, %get3A_538 : vector<16xf32>
        %max3A_540 = arith.maximumf %scan3A_534, %get3A_538 : vector<16xf32>
        scf.yield %min3A_539, %max3A_540 : vector<16xf32>, vector<16xf32>
      }
      %scan3A_8 = arith.constant 146 : i32
      %iota3A = tpu.iota {dimensions = array<i32: 0>} : vector<16xi32>
      %xor3A = arith.constant 1 : i32
      %xor3A_9 = vector.broadcast %xor3A : i32 to vector<16xi32>
      %xor3A_10 = arith.xori %iota3A, %xor3A_9 : vector<16xi32>
      %lt3A = arith.constant 0 : i32
      %lt3A_11 = vector.broadcast %lt3A : i32 to vector<16xi32>
      %lt3A_12 = arith.cmpi slt, %xor3A_10, %lt3A_11 : vector<16xi32>
      %add3A = arith.constant 16 : i32
      %add3A_13 = vector.broadcast %add3A : i32 to vector<16xi32>
      %add3A_14 = arith.addi %xor3A_10, %add3A_13 : vector<16xi32>
      %select_n3A = arith.select %lt3A_12, %add3A_14, %xor3A_10 : vector<16xi1>, vector<16xi32>
      %broadcast_in_dim3A = vector.shape_cast %select_n3A : vector<16xi32> to vector<16x1xi32>
      %gather3A = vector.shape_cast %broadcast_in_dim3A : vector<16x1xi32> to vector<16xi32>
      %gather3A_15 = tpu.dynamic_gather %scan3A_7#0[%gather3A] in [0] : vector<16xf32>, vector<16xi32> -> vector<16xf32>
      %min3A = arith.minimumf %scan3A_7#0, %gather3A_15 : vector<16xf32>
      %xor3A_16 = arith.constant 2 : i32
      %xor3A_17 = vector.broadcast %xor3A_16 : i32 to vector<16xi32>
      %xor3A_18 = arith.xori %iota3A, %xor3A_17 : vector<16xi32>
      %lt3A_19 = arith.constant 0 : i32
      %lt3A_20 = vector.broadcast %lt3A_19 : i32 to vector<16xi32>
      %lt3A_21 = arith.cmpi slt, %xor3A_18, %lt3A_20 : vector<16xi32>
      %add3A_22 = arith.constant 16 : i32
      %add3A_23 = vector.broadcast %add3A_22 : i32 to vector<16xi32>
      %add3A_24 = arith.addi %xor3A_18, %add3A_23 : vector<16xi32>
      %select_n3A_25 = arith.select %lt3A_21, %add3A_24, %xor3A_18 : vector<16xi1>, vector<16xi32>
      %broadcast_in_dim3A_26 = vector.shape_cast %select_n3A_25 : vector<16xi32> to vector<16x1xi32>
      %gather3A_27 = vector.shape_cast %broadcast_in_dim3A_26 : vector<16x1xi32> to vector<16xi32>
      %gather3A_28 = tpu.dynamic_gather %min3A[%gather3A_27] in [0] : vector<16xf32>, vector<16xi32> -> vector<16xf32>
      %min3A_29 = arith.minimumf %min3A, %gather3A_28 : vector<16xf32>
      %xor3A_30 = arith.constant 4 : i32
      %xor3A_31 = vector.broadcast %xor3A_30 : i32 to vector<16xi32>
      %xor3A_32 = arith.xori %iota3A, %xor3A_31 : vector<16xi32>
      %lt3A_33 = arith.constant 0 : i32
      %lt3A_34 = vector.broadcast %lt3A_33 : i32 to vector<16xi32>
      %lt3A_35 = arith.cmpi slt, %xor3A_32, %lt3A_34 : vector<16xi32>
      %add3A_36 = arith.constant 16 : i32
      %add3A_37 = vector.broadcast %add3A_36 : i32 to vector<16xi32>
      %add3A_38 = arith.addi %xor3A_32, %add3A_37 : vector<16xi32>
      %select_n3A_39 = arith.select %lt3A_35, %add3A_38, %xor3A_32 : vector<16xi1>, vector<16xi32>
      %broadcast_in_dim3A_40 = vector.shape_cast %select_n3A_39 : vector<16xi32> to vector<16x1xi32>
      %gather3A_41 = vector.shape_cast %broadcast_in_dim3A_40 : vector<16x1xi32> to vector<16xi32>
      %gather3A_42 = tpu.dynamic_gather %min3A_29[%gather3A_41] in [0] : vector<16xf32>, vector<16xi32> -> vector<16xf32>
      %min3A_43 = arith.minimumf %min3A_29, %gather3A_42 : vector<16xf32>
      %xor3A_44 = arith.constant 8 : i32
      %xor3A_45 = vector.broadcast %xor3A_44 : i32 to vector<16xi32>
      %xor3A_46 = arith.xori %iota3A, %xor3A_45 : vector<16xi32>
      %lt3A_47 = arith.constant 0 : i32
      %lt3A_48 = vector.broadcast %lt3A_47 : i32 to vector<16xi32>
      %lt3A_49 = arith.cmpi slt, %xor3A_46, %lt3A_48 : vector<16xi32>
      %add3A_50 = arith.constant 16 : i32
      %add3A_51 = vector.broadcast %add3A_50 : i32 to vector<16xi32>
      %add3A_52 = arith.addi %xor3A_46, %add3A_51 : vector<16xi32>
      %select_n3A_53 = arith.select %lt3A_49, %add3A_52, %xor3A_46 : vector<16xi1>, vector<16xi32>
      %broadcast_in_dim3A_54 = vector.shape_cast %select_n3A_53 : vector<16xi32> to vector<16x1xi32>
      %gather3A_55 = vector.shape_cast %broadcast_in_dim3A_54 : vector<16x1xi32> to vector<16xi32>
      %gather3A_56 = tpu.dynamic_gather %min3A_43[%gather3A_55] in [0] : vector<16xf32>, vector<16xi32> -> vector<16xf32>
      %min3A_57 = arith.minimumf %min3A_43, %gather3A_56 : vector<16xf32>
      %xor3A_58 = arith.constant 1 : i32
      %xor3A_59 = vector.broadcast %xor3A_58 : i32 to vector<16xi32>
      %xor3A_60 = arith.xori %iota3A, %xor3A_59 : vector<16xi32>
      %lt3A_61 = arith.constant 0 : i32
      %lt3A_62 = vector.broadcast %lt3A_61 : i32 to vector<16xi32>
      %lt3A_63 = arith.cmpi slt, %xor3A_60, %lt3A_62 : vector<16xi32>
      %add3A_64 = arith.constant 16 : i32
      %add3A_65 = vector.broadcast %add3A_64 : i32 to vector<16xi32>
      %add3A_66 = arith.addi %xor3A_60, %add3A_65 : vector<16xi32>
      %select_n3A_67 = arith.select %lt3A_63, %add3A_66, %xor3A_60 : vector<16xi1>, vector<16xi32>
      %broadcast_in_dim3A_68 = vector.shape_cast %select_n3A_67 : vector<16xi32> to vector<16x1xi32>
      %gather3A_69 = vector.shape_cast %broadcast_in_dim3A_68 : vector<16x1xi32> to vector<16xi32>
      %gather3A_70 = tpu.dynamic_gather %scan3A_7#1[%gather3A_69] in [0] : vector<16xf32>, vector<16xi32> -> vector<16xf32>
      %max3A = arith.maximumf %scan3A_7#1, %gather3A_70 : vector<16xf32>
      %xor3A_71 = arith.constant 2 : i32
      %xor3A_72 = vector.broadcast %xor3A_71 : i32 to vector<16xi32>
      %xor3A_73 = arith.xori %iota3A, %xor3A_72 : vector<16xi32>
      %lt3A_74 = arith.constant 0 : i32
      %lt3A_75 = vector.broadcast %lt3A_74 : i32 to vector<16xi32>
      %lt3A_76 = arith.cmpi slt, %xor3A_73, %lt3A_75 : vector<16xi32>
      %add3A_77 = arith.constant 16 : i32
      %add3A_78 = vector.broadcast %add3A_77 : i32 to vector<16xi32>
      %add3A_79 = arith.addi %xor3A_73, %add3A_78 : vector<16xi32>
      %select_n3A_80 = arith.select %lt3A_76, %add3A_79, %xor3A_73 : vector<16xi1>, vector<16xi32>
      %broadcast_in_dim3A_81 = vector.shape_cast %select_n3A_80 : vector<16xi32> to vector<16x1xi32>
      %gather3A_82 = vector.shape_cast %broadcast_in_dim3A_81 : vector<16x1xi32> to vector<16xi32>
      %gather3A_83 = tpu.dynamic_gather %max3A[%gather3A_82] in [0] : vector<16xf32>, vector<16xi32> -> vector<16xf32>
      %max3A_84 = arith.maximumf %max3A, %gather3A_83 : vector<16xf32>
      %xor3A_85 = arith.constant 4 : i32
      %xor3A_86 = vector.broadcast %xor3A_85 : i32 to vector<16xi32>
      %xor3A_87 = arith.xori %iota3A, %xor3A_86 : vector<16xi32>
      %lt3A_88 = arith.constant 0 : i32
      %lt3A_89 = vector.broadcast %lt3A_88 : i32 to vector<16xi32>
      %lt3A_90 = arith.cmpi slt, %xor3A_87, %lt3A_89 : vector<16xi32>
      %add3A_91 = arith.constant 16 : i32
      %add3A_92 = vector.broadcast %add3A_91 : i32 to vector<16xi32>
      %add3A_93 = arith.addi %xor3A_87, %add3A_92 : vector<16xi32>
      %select_n3A_94 = arith.select %lt3A_90, %add3A_93, %xor3A_87 : vector<16xi1>, vector<16xi32>
      %broadcast_in_dim3A_95 = vector.shape_cast %select_n3A_94 : vector<16xi32> to vector<16x1xi32>
      %gather3A_96 = vector.shape_cast %broadcast_in_dim3A_95 : vector<16x1xi32> to vector<16xi32>
      %gather3A_97 = tpu.dynamic_gather %max3A_84[%gather3A_96] in [0] : vector<16xf32>, vector<16xi32> -> vector<16xf32>
      %max3A_98 = arith.maximumf %max3A_84, %gather3A_97 : vector<16xf32>
      %xor3A_99 = arith.constant 8 : i32
      %xor3A_100 = vector.broadcast %xor3A_99 : i32 to vector<16xi32>
      %xor3A_101 = arith.xori %iota3A, %xor3A_100 : vector<16xi32>
      %lt3A_102 = arith.constant 0 : i32
      %lt3A_103 = vector.broadcast %lt3A_102 : i32 to vector<16xi32>
      %lt3A_104 = arith.cmpi slt, %xor3A_101, %lt3A_103 : vector<16xi32>
      %add3A_105 = arith.constant 16 : i32
      %add3A_106 = vector.broadcast %add3A_105 : i32 to vector<16xi32>
      %add3A_107 = arith.addi %xor3A_101, %add3A_106 : vector<16xi32>
      %select_n3A_108 = arith.select %lt3A_104, %add3A_107, %xor3A_101 : vector<16xi1>, vector<16xi32>
      %broadcast_in_dim3A_109 = vector.shape_cast %select_n3A_108 : vector<16xi32> to vector<16x1xi32>
      %gather3A_110 = vector.shape_cast %broadcast_in_dim3A_109 : vector<16x1xi32> to vector<16xi32>
      %gather3A_111 = tpu.dynamic_gather %max3A_98[%gather3A_110] in [0] : vector<16xf32>, vector<16xi32> -> vector<16xf32>
      %max3A_112 = arith.maximumf %max3A_98, %gather3A_111 : vector<16xf32>
      %sub3A = arith.subf %max3A_112, %min3A_57 : vector<16xf32>
      %div3A = arith.constant 3.000000e+01 : f32
      %div3A_113 = vector.broadcast %div3A : f32 to vector<16xf32>
      %div3A_114 = arith.divf %div3A_113, %sub3A : vector<16xf32>
      %broadcast_in_dim3A_115 = arith.constant 0.000000e+00 : f32
      %broadcast_in_dim3A_116 = vector.broadcast %broadcast_in_dim3A_115 : f32 to vector<16xf32>
      %swap3A = arith.constant 0 : index
      %swap3A_117 = tpu.vector_load %arg5[%swap3A] {strides = array<i32>} : memref<512xf32, #tpu.memory_space<vmem>>, vector<16xf32>,
      tpu.vector_store %arg5[%swap3A], %broadcast_in_dim3A_116 {strides = array<i32>} : memref<512xf32, #tpu.memory_space<vmem>>, vector<16xf32>,
      %swap3A_118 = arith.constant 16 : index
      %swap3A_119 = tpu.vector_load %arg5[%swap3A_118] {strides = array<i32>} : memref<512xf32, #tpu.memory_space<vmem>>, vector<16xf32>,
      tpu.vector_store %arg5[%swap3A_118], %broadcast_in_dim3A_116 {strides = array<i32>} : memref<512xf32, #tpu.memory_space<vmem>>, vector<16xf32>,
      %swap3A_120 = arith.constant 32 : index
      %swap3A_121 = tpu.vector_load %arg5[%swap3A_120] {strides = array<i32>} : memref<512xf32, #tpu.memory_space<vmem>>, vector<16xf32>,
      tpu.vector_store %arg5[%swap3A_120], %broadcast_in_dim3A_116 {strides = array<i32>} : memref<512xf32, #tpu.memory_space<vmem>>, vector<16xf32>,
      %swap3A_122 = arith.constant 48 : index
      %swap3A_123 = tpu.vector_load %arg5[%swap3A_122] {strides = array<i32>} : memref<512xf32, #tpu.memory_space<vmem>>, vector<16xf32>,
      tpu.vector_store %arg5[%swap3A_122], %broadcast_in_dim3A_116 {strides = array<i32>} : memref<512xf32, #tpu.memory_space<vmem>>, vector<16xf32>,
      %swap3A_124 = arith.constant 64 : index
      %swap3A_125 = tpu.vector_load %arg5[%swap3A_124] {strides = array<i32>} : memref<512xf32, #tpu.memory_space<vmem>>, vector<16xf32>,
      tpu.vector_store %arg5[%swap3A_124], %broadcast_in_dim3A_116 {strides = array<i32>} : memref<512xf32, #tpu.memory_space<vmem>>, vector<16xf32>,
      %swap3A_126 = arith.constant 80 : index
      %swap3A_127 = tpu.vector_load %arg5[%swap3A_126] {strides = array<i32>} : memref<512xf32, #tpu.memory_space<vmem>>, vector<16xf32>,
      tpu.vector_store %arg5[%swap3A_126], %broadcast_in_dim3A_116 {strides = array<i32>} : memref<512xf32, #tpu.memory_space<vmem>>, vector<16xf32>,
      %swap3A_128 = arith.constant 96 : index
      %swap3A_129 = tpu.vector_load %arg5[%swap3A_128] {strides = array<i32>} : memref<512xf32, #tpu.memory_space<vmem>>, vector<16xf32>,
      tpu.vector_store %arg5[%swap3A_128], %broadcast_in_dim3A_116 {strides = array<i32>} : memref<512xf32, #tpu.memory_space<vmem>>, vector<16xf32>,
      %swap3A_130 = arith.constant 112 : index
      %swap3A_131 = tpu.vector_load %arg5[%swap3A_130] {strides = array<i32>} : memref<512xf32, #tpu.memory_space<vmem>>, vector<16xf32>,
      tpu.vector_store %arg5[%swap3A_130], %broadcast_in_dim3A_116 {strides = array<i32>} : memref<512xf32, #tpu.memory_space<vmem>>, vector<16xf32>,
      %swap3A_132 = arith.constant 128 : index
      %swap3A_133 = tpu.vector_load %arg5[%swap3A_132] {strides = array<i32>} : memref<512xf32, #tpu.memory_space<vmem>>, vector<16xf32>,
      tpu.vector_store %arg5[%swap3A_132], %broadcast_in_dim3A_116 {strides = array<i32>} : memref<512xf32, #tpu.memory_space<vmem>>, vector<16xf32>,
      %swap3A_134 = arith.constant 144 : index
      %swap3A_135 = tpu.vector_load %arg5[%swap3A_134] {strides = array<i32>} : memref<512xf32, #tpu.memory_space<vmem>>, vector<16xf32>,
      tpu.vector_store %arg5[%swap3A_134], %broadcast_in_dim3A_116 {strides = array<i32>} : memref<512xf32, #tpu.memory_space<vmem>>, vector<16xf32>,
      %swap3A_136 = arith.constant 160 : index
      %swap3A_137 = tpu.vector_load %arg5[%swap3A_136] {strides = array<i32>} : memref<512xf32, #tpu.memory_space<vmem>>, vector<16xf32>,
      tpu.vector_store %arg5[%swap3A_136], %broadcast_in_dim3A_116 {strides = array<i32>} : memref<512xf32, #tpu.memory_space<vmem>>, vector<16xf32>,
      %swap3A_138 = arith.constant 176 : index
      %swap3A_139 = tpu.vector_load %arg5[%swap3A_138] {strides = array<i32>} : memref<512xf32, #tpu.memory_space<vmem>>, vector<16xf32>,
      tpu.vector_store %arg5[%swap3A_138], %broadcast_in_dim3A_116 {strides = array<i32>} : memref<512xf32, #tpu.memory_space<vmem>>, vector<16xf32>,
      %swap3A_140 = arith.constant 192 : index
      %swap3A_141 = tpu.vector_load %arg5[%swap3A_140] {strides = array<i32>} : memref<512xf32, #tpu.memory_space<vmem>>, vector<16xf32>,
      tpu.vector_store %arg5[%swap3A_140], %broadcast_in_dim3A_116 {strides = array<i32>} : memref<512xf32, #tpu.memory_space<vmem>>, vector<16xf32>,
      %swap3A_142 = arith.constant 208 : index
      %swap3A_143 = tpu.vector_load %arg5[%swap3A_142] {strides = array<i32>} : memref<512xf32, #tpu.memory_space<vmem>>, vector<16xf32>,
      tpu.vector_store %arg5[%swap3A_142], %broadcast_in_dim3A_116 {strides = array<i32>} : memref<512xf32, #tpu.memory_space<vmem>>, vector<16xf32>,
      %swap3A_144 = arith.constant 224 : index
      %swap3A_145 = tpu.vector_load %arg5[%swap3A_144] {strides = array<i32>} : memref<512xf32, #tpu.memory_space<vmem>>, vector<16xf32>,
      tpu.vector_store %arg5[%swap3A_144], %broadcast_in_dim3A_116 {strides = array<i32>} : memref<512xf32, #tpu.memory_space<vmem>>, vector<16xf32>,
      %swap3A_146 = arith.constant 240 : index
      %swap3A_147 = tpu.vector_load %arg5[%swap3A_146] {strides = array<i32>} : memref<512xf32, #tpu.memory_space<vmem>>, vector<16xf32>,
      tpu.vector_store %arg5[%swap3A_146], %broadcast_in_dim3A_116 {strides = array<i32>} : memref<512xf32, #tpu.memory_space<vmem>>, vector<16xf32>,
      %swap3A_148 = arith.constant 256 : index
      %swap3A_149 = tpu.vector_load %arg5[%swap3A_148] {strides = array<i32>} : memref<512xf32, #tpu.memory_space<vmem>>, vector<16xf32>,
      tpu.vector_store %arg5[%swap3A_148], %broadcast_in_dim3A_116 {strides = array<i32>} : memref<512xf32, #tpu.memory_space<vmem>>, vector<16xf32>,
      %swap3A_150 = arith.constant 272 : index
      %swap3A_151 = tpu.vector_load %arg5[%swap3A_150] {strides = array<i32>} : memref<512xf32, #tpu.memory_space<vmem>>, vector<16xf32>,
      tpu.vector_store %arg5[%swap3A_150], %broadcast_in_dim3A_116 {strides = array<i32>} : memref<512xf32, #tpu.memory_space<vmem>>, vector<16xf32>,
      %swap3A_152 = arith.constant 288 : index
      %swap3A_153 = tpu.vector_load %arg5[%swap3A_152] {strides = array<i32>} : memref<512xf32, #tpu.memory_space<vmem>>, vector<16xf32>,
      tpu.vector_store %arg5[%swap3A_152], %broadcast_in_dim3A_116 {strides = array<i32>} : memref<512xf32, #tpu.memory_space<vmem>>, vector<16xf32>,
      %swap3A_154 = arith.constant 304 : index
      %swap3A_155 = tpu.vector_load %arg5[%swap3A_154] {strides = array<i32>} : memref<512xf32, #tpu.memory_space<vmem>>, vector<16xf32>,
      tpu.vector_store %arg5[%swap3A_154], %broadcast_in_dim3A_116 {strides = array<i32>} : memref<512xf32, #tpu.memory_space<vmem>>, vector<16xf32>,
      %swap3A_156 = arith.constant 320 : index
      %swap3A_157 = tpu.vector_load %arg5[%swap3A_156] {strides = array<i32>} : memref<512xf32, #tpu.memory_space<vmem>>, vector<16xf32>,
      tpu.vector_store %arg5[%swap3A_156], %broadcast_in_dim3A_116 {strides = array<i32>} : memref<512xf32, #tpu.memory_space<vmem>>, vector<16xf32>,
      %swap3A_158 = arith.constant 336 : index
      %swap3A_159 = tpu.vector_load %arg5[%swap3A_158] {strides = array<i32>} : memref<512xf32, #tpu.memory_space<vmem>>, vector<16xf32>,
      tpu.vector_store %arg5[%swap3A_158], %broadcast_in_dim3A_116 {strides = array<i32>} : memref<512xf32, #tpu.memory_space<vmem>>, vector<16xf32>,
      %swap3A_160 = arith.constant 352 : index
      %swap3A_161 = tpu.vector_load %arg5[%swap3A_160] {strides = array<i32>} : memref<512xf32, #tpu.memory_space<vmem>>, vector<16xf32>,
      tpu.vector_store %arg5[%swap3A_160], %broadcast_in_dim3A_116 {strides = array<i32>} : memref<512xf32, #tpu.memory_space<vmem>>, vector<16xf32>,
      %swap3A_162 = arith.constant 368 : index
      %swap3A_163 = tpu.vector_load %arg5[%swap3A_162] {strides = array<i32>} : memref<512xf32, #tpu.memory_space<vmem>>, vector<16xf32>,
      tpu.vector_store %arg5[%swap3A_162], %broadcast_in_dim3A_116 {strides = array<i32>} : memref<512xf32, #tpu.memory_space<vmem>>, vector<16xf32>,
      %swap3A_164 = arith.constant 384 : index
      %swap3A_165 = tpu.vector_load %arg5[%swap3A_164] {strides = array<i32>} : memref<512xf32, #tpu.memory_space<vmem>>, vector<16xf32>,
      tpu.vector_store %arg5[%swap3A_164], %broadcast_in_dim3A_116 {strides = array<i32>} : memref<512xf32, #tpu.memory_space<vmem>>, vector<16xf32>,
      %swap3A_166 = arith.constant 400 : index
      %swap3A_167 = tpu.vector_load %arg5[%swap3A_166] {strides = array<i32>} : memref<512xf32, #tpu.memory_space<vmem>>, vector<16xf32>,
      tpu.vector_store %arg5[%swap3A_166], %broadcast_in_dim3A_116 {strides = array<i32>} : memref<512xf32, #tpu.memory_space<vmem>>, vector<16xf32>,
      %swap3A_168 = arith.constant 416 : index
      %swap3A_169 = tpu.vector_load %arg5[%swap3A_168] {strides = array<i32>} : memref<512xf32, #tpu.memory_space<vmem>>, vector<16xf32>,
      tpu.vector_store %arg5[%swap3A_168], %broadcast_in_dim3A_116 {strides = array<i32>} : memref<512xf32, #tpu.memory_space<vmem>>, vector<16xf32>,
      %swap3A_170 = arith.constant 432 : index
      %swap3A_171 = tpu.vector_load %arg5[%swap3A_170] {strides = array<i32>} : memref<512xf32, #tpu.memory_space<vmem>>, vector<16xf32>,
      tpu.vector_store %arg5[%swap3A_170], %broadcast_in_dim3A_116 {strides = array<i32>} : memref<512xf32, #tpu.memory_space<vmem>>, vector<16xf32>,
      %swap3A_172 = arith.constant 448 : index
      %swap3A_173 = tpu.vector_load %arg5[%swap3A_172] {strides = array<i32>} : memref<512xf32, #tpu.memory_space<vmem>>, vector<16xf32>,
      tpu.vector_store %arg5[%swap3A_172], %broadcast_in_dim3A_116 {strides = array<i32>} : memref<512xf32, #tpu.memory_space<vmem>>, vector<16xf32>,
      %swap3A_174 = arith.constant 464 : index
      %swap3A_175 = tpu.vector_load %arg5[%swap3A_174] {strides = array<i32>} : memref<512xf32, #tpu.memory_space<vmem>>, vector<16xf32>,
      tpu.vector_store %arg5[%swap3A_174], %broadcast_in_dim3A_116 {strides = array<i32>} : memref<512xf32, #tpu.memory_space<vmem>>, vector<16xf32>,
      %swap3A_176 = arith.constant 480 : index
      %swap3A_177 = tpu.vector_load %arg5[%swap3A_176] {strides = array<i32>} : memref<512xf32, #tpu.memory_space<vmem>>, vector<16xf32>,
      tpu.vector_store %arg5[%swap3A_176], %broadcast_in_dim3A_116 {strides = array<i32>} : memref<512xf32, #tpu.memory_space<vmem>>, vector<16xf32>,
      %swap3A_178 = arith.constant 496 : index
      %swap3A_179 = tpu.vector_load %arg5[%swap3A_178] {strides = array<i32>} : memref<512xf32, #tpu.memory_space<vmem>>, vector<16xf32>,
      tpu.vector_store %arg5[%swap3A_178], %broadcast_in_dim3A_116 {strides = array<i32>} : memref<512xf32, #tpu.memory_space<vmem>>, vector<16xf32>,
      %iota3A_180 = tpu.iota {dimensions = array<i32: 0>} : vector<16xi32>
      %mul3A_181 = arith.constant 32 : i32
      %mul3A_182 = vector.broadcast %mul3A_181 : i32 to vector<16xi32>
      %mul3A_183 = arith.muli %iota3A_180, %mul3A_182 : vector<16xi32>
      %broadcast_in_dim3A_184 = arith.constant 1.000000e+00 : f32
      %broadcast_in_dim3A_185 = vector.broadcast %broadcast_in_dim3A_184 : f32 to vector<16xf32>
      %scan3A_186 = arith.constant 0 : i32
      %scan3A_187 = arith.constant 0 : i32
      %scan3A_188 = arith.constant 147 : i32
      %scan3A_189 = arith.addi %scan3A_187, %scan3A_188 : i32
      %scan3A_190 = arith.constant 1 : i32
      scf.for %scan3A_532 = %scan3A_187 to %scan3A_189 step %scan3A_190  : i32 {
        %mul3A_533 = arith.constant 16 : i32
        %mul3A_534 = arith.muli %scan3A_532, %mul3A_533 : i32
        %get3A_535 = arith.index_cast %mul3A_534 : i32 to index
        %get3A_536 = tpu.vector_load %arg4[%get3A_535] {strides = array<i32>} : memref<2352xf32, #tpu.memory_space<vmem>>, vector<16xf32>,
        %sub3A_537 = arith.subf %get3A_536, %min3A_57 : vector<16xf32>
        %mul3A_538 = arith.mulf %sub3A_537, %div3A_114 : vector<16xf32>
        %convert_element_type3A_539 = arith.fptosi %mul3A_538 : vector<16xf32> to vector<16xi32>
        %jit3A_540 = arith.constant 0 : i32
        %jit3A_541 = arith.constant 29 : i32
        %max3A_542 = vector.broadcast %jit3A_540 : i32 to vector<16xi32>
        %max3A_543 = arith.maxsi %max3A_542, %convert_element_type3A_539 : vector<16xi32>
        %min3A_544 = vector.broadcast %jit3A_541 : i32 to vector<16xi32>
        %min3A_545 = arith.minsi %min3A_544, %max3A_543 : vector<16xi32>
        %add3A_546 = arith.addi %mul3A_183, %min3A_545 : vector<16xi32>
        tpu.vector_store_idx %arg5[%add3A_546], %broadcast_in_dim3A_185 {add = true} : memref<512xf32, #tpu.memory_space<vmem>>[vector<16xi32>], vector<16xf32>,
      }
      %scan3A_191 = arith.constant 147 : i32
      %get3A_192 = arith.constant 0 : index
      %get3A_193 = tpu.vector_load %arg5[%get3A_192] {strides = array<i32>} : memref<512xf32, #tpu.memory_space<vmem>>, vector<16xf32>,
      %get3A_194 = arith.constant 16 : index
      %get3A_195 = tpu.vector_load %arg5[%get3A_194] {strides = array<i32>} : memref<512xf32, #tpu.memory_space<vmem>>, vector<16xf32>,
      %get3A_196 = arith.constant 32 : index
      %get3A_197 = tpu.vector_load %arg5[%get3A_196] {strides = array<i32>} : memref<512xf32, #tpu.memory_space<vmem>>, vector<16xf32>,
      %add3A_198 = arith.addf %get3A_193, %get3A_197 : vector<16xf32>
      %get3A_199 = arith.constant 48 : index
      %get3A_200 = tpu.vector_load %arg5[%get3A_199] {strides = array<i32>} : memref<512xf32, #tpu.memory_space<vmem>>, vector<16xf32>,
      %add3A_201 = arith.addf %get3A_195, %get3A_200 : vector<16xf32>
      %get3A_202 = arith.constant 64 : index
      %get3A_203 = tpu.vector_load %arg5[%get3A_202] {strides = array<i32>} : memref<512xf32, #tpu.memory_space<vmem>>, vector<16xf32>,
      %add3A_204 = arith.addf %add3A_198, %get3A_203 : vector<16xf32>
      %get3A_205 = arith.constant 80 : index
      %get3A_206 = tpu.vector_load %arg5[%get3A_205] {strides = array<i32>} : memref<512xf32, #tpu.memory_space<vmem>>, vector<16xf32>,
      %add3A_207 = arith.addf %add3A_201, %get3A_206 : vector<16xf32>
      %get3A_208 = arith.constant 96 : index
      %get3A_209 = tpu.vector_load %arg5[%get3A_208] {strides = array<i32>} : memref<512xf32, #tpu.memory_space<vmem>>, vector<16xf32>,
      %add3A_210 = arith.addf %add3A_204, %get3A_209 : vector<16xf32>
      %get3A_211 = arith.constant 112 : index
      %get3A_212 = tpu.vector_load %arg5[%get3A_211] {strides = array<i32>} : memref<512xf32, #tpu.memory_space<vmem>>, vector<16xf32>,
      %add3A_213 = arith.addf %add3A_207, %get3A_212 : vector<16xf32>
      %get3A_214 = arith.constant 128 : index
      %get3A_215 = tpu.vector_load %arg5[%get3A_214] {strides = array<i32>} : memref<512xf32, #tpu.memory_space<vmem>>, vector<16xf32>,
      %add3A_216 = arith.addf %add3A_210, %get3A_215 : vector<16xf32>
      %get3A_217 = arith.constant 144 : index
      %get3A_218 = tpu.vector_load %arg5[%get3A_217] {strides = array<i32>} : memref<512xf32, #tpu.memory_space<vmem>>, vector<16xf32>,
      %add3A_219 = arith.addf %add3A_213, %get3A_218 : vector<16xf32>
      %get3A_220 = arith.constant 160 : index
      %get3A_221 = tpu.vector_load %arg5[%get3A_220] {strides = array<i32>} : memref<512xf32, #tpu.memory_space<vmem>>, vector<16xf32>,
      %add3A_222 = arith.addf %add3A_216, %get3A_221 : vector<16xf32>
      %get3A_223 = arith.constant 176 : index
      %get3A_224 = tpu.vector_load %arg5[%get3A_223] {strides = array<i32>} : memref<512xf32, #tpu.memory_space<vmem>>, vector<16xf32>,
      %add3A_225 = arith.addf %add3A_219, %get3A_224 : vector<16xf32>
      %get3A_226 = arith.constant 192 : index
      %get3A_227 = tpu.vector_load %arg5[%get3A_226] {strides = array<i32>} : memref<512xf32, #tpu.memory_space<vmem>>, vector<16xf32>,
      %add3A_228 = arith.addf %add3A_222, %get3A_227 : vector<16xf32>
      %get3A_229 = arith.constant 208 : index
      %get3A_230 = tpu.vector_load %arg5[%get3A_229] {strides = array<i32>} : memref<512xf32, #tpu.memory_space<vmem>>, vector<16xf32>,
      %add3A_231 = arith.addf %add3A_225, %get3A_230 : vector<16xf32>
      %get3A_232 = arith.constant 224 : index
      %get3A_233 = tpu.vector_load %arg5[%get3A_232] {strides = array<i32>} : memref<512xf32, #tpu.memory_space<vmem>>, vector<16xf32>,
      %add3A_234 = arith.addf %add3A_228, %get3A_233 : vector<16xf32>
      %get3A_235 = arith.constant 240 : index
      %get3A_236 = tpu.vector_load %arg5[%get3A_235] {strides = array<i32>} : memref<512xf32, #tpu.memory_space<vmem>>, vector<16xf32>,
      %add3A_237 = arith.addf %add3A_231, %get3A_236 : vector<16xf32>
      %get3A_238 = arith.constant 256 : index
      %get3A_239 = tpu.vector_load %arg5[%get3A_238] {strides = array<i32>} : memref<512xf32, #tpu.memory_space<vmem>>, vector<16xf32>,
      %add3A_240 = arith.addf %add3A_234, %get3A_239 : vector<16xf32>
      %get3A_241 = arith.constant 272 : index
      %get3A_242 = tpu.vector_load %arg5[%get3A_241] {strides = array<i32>} : memref<512xf32, #tpu.memory_space<vmem>>, vector<16xf32>,
      %add3A_243 = arith.addf %add3A_237, %get3A_242 : vector<16xf32>
      %get3A_244 = arith.constant 288 : index
      %get3A_245 = tpu.vector_load %arg5[%get3A_244] {strides = array<i32>} : memref<512xf32, #tpu.memory_space<vmem>>, vector<16xf32>,
      %add3A_246 = arith.addf %add3A_240, %get3A_245 : vector<16xf32>
      %get3A_247 = arith.constant 304 : index
      %get3A_248 = tpu.vector_load %arg5[%get3A_247] {strides = array<i32>} : memref<512xf32, #tpu.memory_space<vmem>>, vector<16xf32>,
      %add3A_249 = arith.addf %add3A_243, %get3A_248 : vector<16xf32>
      %get3A_250 = arith.constant 320 : index
      %get3A_251 = tpu.vector_load %arg5[%get3A_250] {strides = array<i32>} : memref<512xf32, #tpu.memory_space<vmem>>, vector<16xf32>,
      %add3A_252 = arith.addf %add3A_246, %get3A_251 : vector<16xf32>
      %get3A_253 = arith.constant 336 : index
      %get3A_254 = tpu.vector_load %arg5[%get3A_253] {strides = array<i32>} : memref<512xf32, #tpu.memory_space<vmem>>, vector<16xf32>,
      %add3A_255 = arith.addf %add3A_249, %get3A_254 : vector<16xf32>
      %get3A_256 = arith.constant 352 : index
      %get3A_257 = tpu.vector_load %arg5[%get3A_256] {strides = array<i32>} : memref<512xf32, #tpu.memory_space<vmem>>, vector<16xf32>,
      %add3A_258 = arith.addf %add3A_252, %get3A_257 : vector<16xf32>
      %get3A_259 = arith.constant 368 : index
      %get3A_260 = tpu.vector_load %arg5[%get3A_259] {strides = array<i32>} : memref<512xf32, #tpu.memory_space<vmem>>, vector<16xf32>,
      %add3A_261 = arith.addf %add3A_255, %get3A_260 : vector<16xf32>
      %get3A_262 = arith.constant 384 : index
      %get3A_263 = tpu.vector_load %arg5[%get3A_262] {strides = array<i32>} : memref<512xf32, #tpu.memory_space<vmem>>, vector<16xf32>,
      %add3A_264 = arith.addf %add3A_258, %get3A_263 : vector<16xf32>
      %get3A_265 = arith.constant 400 : index
      %get3A_266 = tpu.vector_load %arg5[%get3A_265] {strides = array<i32>} : memref<512xf32, #tpu.memory_space<vmem>>, vector<16xf32>,
      %add3A_267 = arith.addf %add3A_261, %get3A_266 : vector<16xf32>
      %get3A_268 = arith.constant 416 : index
      %get3A_269 = tpu.vector_load %arg5[%get3A_268] {strides = array<i32>} : memref<512xf32, #tpu.memory_space<vmem>>, vector<16xf32>,
      %add3A_270 = arith.addf %add3A_264, %get3A_269 : vector<16xf32>
      %get3A_271 = arith.constant 432 : index
      %get3A_272 = tpu.vector_load %arg5[%get3A_271] {strides = array<i32>} : memref<512xf32, #tpu.memory_space<vmem>>, vector<16xf32>,
      %add3A_273 = arith.addf %add3A_267, %get3A_272 : vector<16xf32>
      %get3A_274 = arith.constant 448 : index
      %get3A_275 = tpu.vector_load %arg5[%get3A_274] {strides = array<i32>} : memref<512xf32, #tpu.memory_space<vmem>>, vector<16xf32>,
      %add3A_276 = arith.addf %add3A_270, %get3A_275 : vector<16xf32>
      %get3A_277 = arith.constant 464 : index
      %get3A_278 = tpu.vector_load %arg5[%get3A_277] {strides = array<i32>} : memref<512xf32, #tpu.memory_space<vmem>>, vector<16xf32>,
      %add3A_279 = arith.addf %add3A_273, %get3A_278 : vector<16xf32>
      %get3A_280 = arith.constant 480 : index
      %get3A_281 = tpu.vector_load %arg5[%get3A_280] {strides = array<i32>} : memref<512xf32, #tpu.memory_space<vmem>>, vector<16xf32>,
      %add3A_282 = arith.addf %add3A_276, %get3A_281 : vector<16xf32>
      %get3A_283 = arith.constant 496 : index
      %get3A_284 = tpu.vector_load %arg5[%get3A_283] {strides = array<i32>} : memref<512xf32, #tpu.memory_space<vmem>>, vector<16xf32>,
      %add3A_285 = arith.addf %add3A_279, %get3A_284 : vector<16xf32>
      %max3A_286 = arith.maximumf %add3A_282, %add3A_285 : vector<16xf32>
      %xor3A_287 = arith.constant 1 : i32
      %xor3A_288 = vector.broadcast %xor3A_287 : i32 to vector<16xi32>
      %xor3A_289 = arith.xori %iota3A, %xor3A_288 : vector<16xi32>
      %lt3A_290 = arith.constant 0 : i32
      %lt3A_291 = vector.broadcast %lt3A_290 : i32 to vector<16xi32>
      %lt3A_292 = arith.cmpi slt, %xor3A_289, %lt3A_291 : vector<16xi32>
      %add3A_293 = arith.constant 16 : i32
      %add3A_294 = vector.broadcast %add3A_293 : i32 to vector<16xi32>
      %add3A_295 = arith.addi %xor3A_289, %add3A_294 : vector<16xi32>
      %select_n3A_296 = arith.select %lt3A_292, %add3A_295, %xor3A_289 : vector<16xi1>, vector<16xi32>
      %broadcast_in_dim3A_297 = vector.shape_cast %select_n3A_296 : vector<16xi32> to vector<16x1xi32>
      %gather3A_298 = vector.shape_cast %broadcast_in_dim3A_297 : vector<16x1xi32> to vector<16xi32>
      %gather3A_299 = tpu.dynamic_gather %max3A_286[%gather3A_298] in [0] : vector<16xf32>, vector<16xi32> -> vector<16xf32>
      %max3A_300 = arith.maximumf %max3A_286, %gather3A_299 : vector<16xf32>
      %xor3A_301 = arith.constant 2 : i32
      %xor3A_302 = vector.broadcast %xor3A_301 : i32 to vector<16xi32>
      %xor3A_303 = arith.xori %iota3A, %xor3A_302 : vector<16xi32>
      %lt3A_304 = arith.constant 0 : i32
      %lt3A_305 = vector.broadcast %lt3A_304 : i32 to vector<16xi32>
      %lt3A_306 = arith.cmpi slt, %xor3A_303, %lt3A_305 : vector<16xi32>
      %add3A_307 = arith.constant 16 : i32
      %add3A_308 = vector.broadcast %add3A_307 : i32 to vector<16xi32>
      %add3A_309 = arith.addi %xor3A_303, %add3A_308 : vector<16xi32>
      %select_n3A_310 = arith.select %lt3A_306, %add3A_309, %xor3A_303 : vector<16xi1>, vector<16xi32>
      %broadcast_in_dim3A_311 = vector.shape_cast %select_n3A_310 : vector<16xi32> to vector<16x1xi32>
      %gather3A_312 = vector.shape_cast %broadcast_in_dim3A_311 : vector<16x1xi32> to vector<16xi32>
      %gather3A_313 = tpu.dynamic_gather %max3A_300[%gather3A_312] in [0] : vector<16xf32>, vector<16xi32> -> vector<16xf32>
      %max3A_314 = arith.maximumf %max3A_300, %gather3A_313 : vector<16xf32>
      %xor3A_315 = arith.constant 4 : i32
      %xor3A_316 = vector.broadcast %xor3A_315 : i32 to vector<16xi32>
      %xor3A_317 = arith.xori %iota3A, %xor3A_316 : vector<16xi32>
      %lt3A_318 = arith.constant 0 : i32
      %lt3A_319 = vector.broadcast %lt3A_318 : i32 to vector<16xi32>
      %lt3A_320 = arith.cmpi slt, %xor3A_317, %lt3A_319 : vector<16xi32>
      %add3A_321 = arith.constant 16 : i32
      %add3A_322 = vector.broadcast %add3A_321 : i32 to vector<16xi32>
      %add3A_323 = arith.addi %xor3A_317, %add3A_322 : vector<16xi32>
      %select_n3A_324 = arith.select %lt3A_320, %add3A_323, %xor3A_317 : vector<16xi1>, vector<16xi32>
      %broadcast_in_dim3A_325 = vector.shape_cast %select_n3A_324 : vector<16xi32> to vector<16x1xi32>
      %gather3A_326 = vector.shape_cast %broadcast_in_dim3A_325 : vector<16x1xi32> to vector<16xi32>
      %gather3A_327 = tpu.dynamic_gather %max3A_314[%gather3A_326] in [0] : vector<16xf32>, vector<16xi32> -> vector<16xf32>
      %max3A_328 = arith.maximumf %max3A_314, %gather3A_327 : vector<16xf32>
      %xor3A_329 = arith.constant 8 : i32
      %xor3A_330 = vector.broadcast %xor3A_329 : i32 to vector<16xi32>
      %xor3A_331 = arith.xori %iota3A, %xor3A_330 : vector<16xi32>
      %lt3A_332 = arith.constant 0 : i32
      %lt3A_333 = vector.broadcast %lt3A_332 : i32 to vector<16xi32>
      %lt3A_334 = arith.cmpi slt, %xor3A_331, %lt3A_333 : vector<16xi32>
      %add3A_335 = arith.constant 16 : i32
      %add3A_336 = vector.broadcast %add3A_335 : i32 to vector<16xi32>
      %add3A_337 = arith.addi %xor3A_331, %add3A_336 : vector<16xi32>
      %select_n3A_338 = arith.select %lt3A_334, %add3A_337, %xor3A_331 : vector<16xi1>, vector<16xi32>
      %broadcast_in_dim3A_339 = vector.shape_cast %select_n3A_338 : vector<16xi32> to vector<16x1xi32>
      %gather3A_340 = vector.shape_cast %broadcast_in_dim3A_339 : vector<16x1xi32> to vector<16xi32>
      %gather3A_341 = tpu.dynamic_gather %max3A_328[%gather3A_340] in [0] : vector<16xf32>, vector<16xi32> -> vector<16xf32>
      %max3A_342 = arith.maximumf %max3A_328, %gather3A_341 : vector<16xf32>
      %eq3A_343 = arith.constant 0.000000e+00 : f32
      %eq3A_344 = vector.broadcast %eq3A_343 : f32 to vector<16xf32>
      %eq3A_345 = arith.cmpf oeq, %add3A_282, %eq3A_344 : vector<16xf32>
      %all_reduce_population_count3A = tpu.all_reduce %eq3A_345 {dim = 0 : i64, kind = #tpu.reduction_kind<sum>} : vector<16xi1> -> vector<16xi32>
      %eq3A_346 = arith.constant 0.000000e+00 : f32
      %eq3A_347 = vector.broadcast %eq3A_346 : f32 to vector<16xf32>
      %eq3A_348 = arith.cmpf oeq, %add3A_285, %eq3A_347 : vector<16xf32>
      %lt3A_349 = arith.constant 14 : i32
      %lt3A_350 = vector.broadcast %lt3A_349 : i32 to vector<16xi32>
      %lt3A_351 = arith.cmpi slt, %iota3A, %lt3A_350 : vector<16xi32>
      %and3A = arith.andi %eq3A_348, %lt3A_351 : vector<16xi1>
      %all_reduce_population_count3A_352 = tpu.all_reduce %and3A {dim = 0 : i64, kind = #tpu.reduction_kind<sum>} : vector<16xi1> -> vector<16xi32>
      %add3A_353 = arith.addi %all_reduce_population_count3A, %all_reduce_population_count3A_352 : vector<16xi32>
      %gt3A = arith.constant 0 : i32
      %gt3A_354 = vector.broadcast %gt3A : i32 to vector<16xi32>
      %gt3A_355 = arith.cmpi sgt, %add3A_353, %gt3A_354 : vector<16xi32>
      %add3A_356 = arith.constant 9.99999974E-5 : f32
      %add3A_357 = vector.broadcast %add3A_356 : f32 to vector<16xf32>
      %add3A_358 = arith.addf %max3A_342, %add3A_357 : vector<16xf32>
      %div3A_359 = arith.constant 1.000000e+00 : f32
      %div3A_360 = vector.broadcast %div3A_359 : f32 to vector<16xf32>
      %div3A_361 = arith.divf %div3A_360, %add3A_358 : vector<16xf32>
      %mul3A_362 = arith.mulf %add3A_282, %div3A_361 : vector<16xf32>
      %bitcast3A = vector.bitcast %mul3A_362 : vector<16xf32> to vector<16xi32>
      %shift_right_arithmetic3A = arith.constant 23 : i32
      %shift_right_arithmetic3A_363 = vector.broadcast %shift_right_arithmetic3A : i32 to vector<16xi32>
      %shift_right_arithmetic3A_364 = arith.shrsi %bitcast3A, %shift_right_arithmetic3A_363 : vector<16xi32>
      %and3A_365 = arith.constant 255 : i32
      %and3A_366 = vector.broadcast %and3A_365 : i32 to vector<16xi32>
      %and3A_367 = arith.andi %shift_right_arithmetic3A_364, %and3A_366 : vector<16xi32>
      %convert_element_type3A_368 = arith.sitofp %and3A_367 : vector<16xi32> to vector<16xf32>
      %sub3A_369 = arith.constant 1.270000e+02 : f32
      %sub3A_370 = vector.broadcast %sub3A_369 : f32 to vector<16xf32>
      %sub3A_371 = arith.subf %convert_element_type3A_368, %sub3A_370 : vector<16xf32>
      %and3A_372 = arith.constant 8388607 : i32
      %and3A_373 = vector.broadcast %and3A_372 : i32 to vector<16xi32>
      %and3A_374 = arith.andi %bitcast3A, %and3A_373 : vector<16xi32>
      %or3A = arith.constant 1065353216 : i32
      %or3A_375 = vector.broadcast %or3A : i32 to vector<16xi32>
      %or3A_376 = arith.ori %and3A_374, %or3A_375 : vector<16xi32>
      %bitcast3A_377 = vector.bitcast %or3A_376 : vector<16xi32> to vector<16xf32>
      %sub3A_378 = arith.constant 1.000000e+00 : f32
      %sub3A_379 = vector.broadcast %sub3A_378 : f32 to vector<16xf32>
      %sub3A_380 = arith.subf %bitcast3A_377, %sub3A_379 : vector<16xf32>
      %add3A_381 = arith.constant 1.000000e+00 : f32
      %add3A_382 = vector.broadcast %add3A_381 : f32 to vector<16xf32>
      %add3A_383 = arith.addf %bitcast3A_377, %add3A_382 : vector<16xf32>
      %div3A_384 = arith.divf %sub3A_380, %add3A_383 : vector<16xf32>
      %mul3A_385 = arith.mulf %div3A_384, %div3A_384 : vector<16xf32>
      %mul3A_386 = arith.constant 2.000000e+00 : f32
      %mul3A_387 = vector.broadcast %mul3A_386 : f32 to vector<16xf32>
      %mul3A_388 = arith.mulf %mul3A_387, %div3A_384 : vector<16xf32>
      %div3A_389 = arith.constant 9.000000e+00 : f32
      %div3A_390 = vector.broadcast %div3A_389 : f32 to vector<16xf32>
      %div3A_391 = arith.divf %mul3A_385, %div3A_390 : vector<16xf32>
      %add3A_392 = arith.constant 0.142857149 : f32
      %add3A_393 = vector.broadcast %add3A_392 : f32 to vector<16xf32>
      %add3A_394 = arith.addf %add3A_393, %div3A_391 : vector<16xf32>
      %mul3A_395 = arith.mulf %mul3A_385, %add3A_394 : vector<16xf32>
      %add3A_396 = arith.constant 2.000000e-01 : f32
      %add3A_397 = vector.broadcast %add3A_396 : f32 to vector<16xf32>
      %add3A_398 = arith.addf %add3A_397, %mul3A_395 : vector<16xf32>
      %mul3A_399 = arith.mulf %mul3A_385, %add3A_398 : vector<16xf32>
      %add3A_400 = arith.constant 0.333333343 : f32
      %add3A_401 = vector.broadcast %add3A_400 : f32 to vector<16xf32>
      %add3A_402 = arith.addf %add3A_401, %mul3A_399 : vector<16xf32>
      %mul3A_403 = arith.mulf %mul3A_385, %add3A_402 : vector<16xf32>
      %add3A_404 = arith.constant 1.000000e+00 : f32
      %add3A_405 = vector.broadcast %add3A_404 : f32 to vector<16xf32>
      %add3A_406 = arith.addf %add3A_405, %mul3A_403 : vector<16xf32>
      %mul3A_407 = arith.mulf %mul3A_388, %add3A_406 : vector<16xf32>
      %mul3A_408 = arith.constant 1.44269502 : f32
      %mul3A_409 = vector.broadcast %mul3A_408 : f32 to vector<16xf32>
      %mul3A_410 = arith.mulf %mul3A_407, %mul3A_409 : vector<16xf32>
      %add3A_411 = arith.addf %sub3A_371, %mul3A_410 : vector<16xf32>
      %mul3A_412 = arith.mulf %mul3A_362, %add3A_411 : vector<16xf32>
      %mul3A_413 = arith.mulf %add3A_285, %div3A_361 : vector<16xf32>
      %bitcast3A_414 = vector.bitcast %mul3A_413 : vector<16xf32> to vector<16xi32>
      %shift_right_arithmetic3A_415 = arith.constant 23 : i32
      %shift_right_arithmetic3A_416 = vector.broadcast %shift_right_arithmetic3A_415 : i32 to vector<16xi32>
      %shift_right_arithmetic3A_417 = arith.shrsi %bitcast3A_414, %shift_right_arithmetic3A_416 : vector<16xi32>
      %and3A_418 = arith.constant 255 : i32
      %and3A_419 = vector.broadcast %and3A_418 : i32 to vector<16xi32>
      %and3A_420 = arith.andi %shift_right_arithmetic3A_417, %and3A_419 : vector<16xi32>
      %convert_element_type3A_421 = arith.sitofp %and3A_420 : vector<16xi32> to vector<16xf32>
      %sub3A_422 = arith.constant 1.270000e+02 : f32
      %sub3A_423 = vector.broadcast %sub3A_422 : f32 to vector<16xf32>
      %sub3A_424 = arith.subf %convert_element_type3A_421, %sub3A_423 : vector<16xf32>
      %and3A_425 = arith.constant 8388607 : i32
      %and3A_426 = vector.broadcast %and3A_425 : i32 to vector<16xi32>
      %and3A_427 = arith.andi %bitcast3A_414, %and3A_426 : vector<16xi32>
      %or3A_428 = arith.constant 1065353216 : i32
      %or3A_429 = vector.broadcast %or3A_428 : i32 to vector<16xi32>
      %or3A_430 = arith.ori %and3A_427, %or3A_429 : vector<16xi32>
      %bitcast3A_431 = vector.bitcast %or3A_430 : vector<16xi32> to vector<16xf32>
      %sub3A_432 = arith.constant 1.000000e+00 : f32
      %sub3A_433 = vector.broadcast %sub3A_432 : f32 to vector<16xf32>
      %sub3A_434 = arith.subf %bitcast3A_431, %sub3A_433 : vector<16xf32>
      %add3A_435 = arith.constant 1.000000e+00 : f32
      %add3A_436 = vector.broadcast %add3A_435 : f32 to vector<16xf32>
      %add3A_437 = arith.addf %bitcast3A_431, %add3A_436 : vector<16xf32>
      %div3A_438 = arith.divf %sub3A_434, %add3A_437 : vector<16xf32>
      %mul3A_439 = arith.mulf %div3A_438, %div3A_438 : vector<16xf32>
      %mul3A_440 = arith.constant 2.000000e+00 : f32
      %mul3A_441 = vector.broadcast %mul3A_440 : f32 to vector<16xf32>
      %mul3A_442 = arith.mulf %mul3A_441, %div3A_438 : vector<16xf32>
      %div3A_443 = arith.constant 9.000000e+00 : f32
      %div3A_444 = vector.broadcast %div3A_443 : f32 to vector<16xf32>
      %div3A_445 = arith.divf %mul3A_439, %div3A_444 : vector<16xf32>
      %add3A_446 = arith.constant 0.142857149 : f32
      %add3A_447 = vector.broadcast %add3A_446 : f32 to vector<16xf32>
      %add3A_448 = arith.addf %add3A_447, %div3A_445 : vector<16xf32>
      %mul3A_449 = arith.mulf %mul3A_439, %add3A_448 : vector<16xf32>
      %add3A_450 = arith.constant 2.000000e-01 : f32
      %add3A_451 = vector.broadcast %add3A_450 : f32 to vector<16xf32>
      %add3A_452 = arith.addf %add3A_451, %mul3A_449 : vector<16xf32>
      %mul3A_453 = arith.mulf %mul3A_439, %add3A_452 : vector<16xf32>
      %add3A_454 = arith.constant 0.333333343 : f32
      %add3A_455 = vector.broadcast %add3A_454 : f32 to vector<16xf32>
      %add3A_456 = arith.addf %add3A_455, %mul3A_453 : vector<16xf32>
      %mul3A_457 = arith.mulf %mul3A_439, %add3A_456 : vector<16xf32>
      %add3A_458 = arith.constant 1.000000e+00 : f32
      %add3A_459 = vector.broadcast %add3A_458 : f32 to vector<16xf32>
      %add3A_460 = arith.addf %add3A_459, %mul3A_457 : vector<16xf32>
      %mul3A_461 = arith.mulf %mul3A_442, %add3A_460 : vector<16xf32>
      %mul3A_462 = arith.constant 1.44269502 : f32
      %mul3A_463 = vector.broadcast %mul3A_462 : f32 to vector<16xf32>
      %mul3A_464 = arith.mulf %mul3A_461, %mul3A_463 : vector<16xf32>
      %add3A_465 = arith.addf %sub3A_424, %mul3A_464 : vector<16xf32>
      %mul3A_466 = arith.mulf %mul3A_413, %add3A_465 : vector<16xf32>
      %add3A_467 = arith.addf %mul3A_412, %mul3A_466 : vector<16xf32>
      %xor3A_468 = arith.constant 1 : i32
      %xor3A_469 = vector.broadcast %xor3A_468 : i32 to vector<16xi32>
      %xor3A_470 = arith.xori %iota3A, %xor3A_469 : vector<16xi32>
      %lt3A_471 = arith.constant 0 : i32
      %lt3A_472 = vector.broadcast %lt3A_471 : i32 to vector<16xi32>
      %lt3A_473 = arith.cmpi slt, %xor3A_470, %lt3A_472 : vector<16xi32>
      %add3A_474 = arith.constant 16 : i32
      %add3A_475 = vector.broadcast %add3A_474 : i32 to vector<16xi32>
      %add3A_476 = arith.addi %xor3A_470, %add3A_475 : vector<16xi32>
      %select_n3A_477 = arith.select %lt3A_473, %add3A_476, %xor3A_470 : vector<16xi1>, vector<16xi32>
      %broadcast_in_dim3A_478 = vector.shape_cast %select_n3A_477 : vector<16xi32> to vector<16x1xi32>
      %gather3A_479 = vector.shape_cast %broadcast_in_dim3A_478 : vector<16x1xi32> to vector<16xi32>
      %gather3A_480 = tpu.dynamic_gather %add3A_467[%gather3A_479] in [0] : vector<16xf32>, vector<16xi32> -> vector<16xf32>
      %add3A_481 = arith.addf %add3A_467, %gather3A_480 : vector<16xf32>
      %xor3A_482 = arith.constant 2 : i32
      %xor3A_483 = vector.broadcast %xor3A_482 : i32 to vector<16xi32>
      %xor3A_484 = arith.xori %iota3A, %xor3A_483 : vector<16xi32>
      %lt3A_485 = arith.constant 0 : i32
      %lt3A_486 = vector.broadcast %lt3A_485 : i32 to vector<16xi32>
      %lt3A_487 = arith.cmpi slt, %xor3A_484, %lt3A_486 : vector<16xi32>
      %add3A_488 = arith.constant 16 : i32
      %add3A_489 = vector.broadcast %add3A_488 : i32 to vector<16xi32>
      %add3A_490 = arith.addi %xor3A_484, %add3A_489 : vector<16xi32>
      %select_n3A_491 = arith.select %lt3A_487, %add3A_490, %xor3A_484 : vector<16xi1>, vector<16xi32>
      %broadcast_in_dim3A_492 = vector.shape_cast %select_n3A_491 : vector<16xi32> to vector<16x1xi32>
      %gather3A_493 = vector.shape_cast %broadcast_in_dim3A_492 : vector<16x1xi32> to vector<16xi32>
      %gather3A_494 = tpu.dynamic_gather %add3A_481[%gather3A_493] in [0] : vector<16xf32>, vector<16xi32> -> vector<16xf32>
      %add3A_495 = arith.addf %add3A_481, %gather3A_494 : vector<16xf32>
      %xor3A_496 = arith.constant 4 : i32
      %xor3A_497 = vector.broadcast %xor3A_496 : i32 to vector<16xi32>
      %xor3A_498 = arith.xori %iota3A, %xor3A_497 : vector<16xi32>
      %lt3A_499 = arith.constant 0 : i32
      %lt3A_500 = vector.broadcast %lt3A_499 : i32 to vector<16xi32>
      %lt3A_501 = arith.cmpi slt, %xor3A_498, %lt3A_500 : vector<16xi32>
      %add3A_502 = arith.constant 16 : i32
      %add3A_503 = vector.broadcast %add3A_502 : i32 to vector<16xi32>
      %add3A_504 = arith.addi %xor3A_498, %add3A_503 : vector<16xi32>
      %select_n3A_505 = arith.select %lt3A_501, %add3A_504, %xor3A_498 : vector<16xi1>, vector<16xi32>
      %broadcast_in_dim3A_506 = vector.shape_cast %select_n3A_505 : vector<16xi32> to vector<16x1xi32>
      %gather3A_507 = vector.shape_cast %broadcast_in_dim3A_506 : vector<16x1xi32> to vector<16xi32>
      %gather3A_508 = tpu.dynamic_gather %add3A_495[%gather3A_507] in [0] : vector<16xf32>, vector<16xi32> -> vector<16xf32>
      %add3A_509 = arith.addf %add3A_495, %gather3A_508 : vector<16xf32>
      %xor3A_510 = arith.constant 8 : i32
      %xor3A_511 = vector.broadcast %xor3A_510 : i32 to vector<16xi32>
      %xor3A_512 = arith.xori %iota3A, %xor3A_511 : vector<16xi32>
      %lt3A_513 = arith.constant 0 : i32
      %lt3A_514 = vector.broadcast %lt3A_513 : i32 to vector<16xi32>
      %lt3A_515 = arith.cmpi slt, %xor3A_512, %lt3A_514 : vector<16xi32>
      %add3A_516 = arith.constant 16 : i32
      %add3A_517 = vector.broadcast %add3A_516 : i32 to vector<16xi32>
      %add3A_518 = arith.addi %xor3A_512, %add3A_517 : vector<16xi32>
      %select_n3A_519 = arith.select %lt3A_515, %add3A_518, %xor3A_512 : vector<16xi1>, vector<16xi32>
      %broadcast_in_dim3A_520 = vector.shape_cast %select_n3A_519 : vector<16xi32> to vector<16x1xi32>
      %gather3A_521 = vector.shape_cast %broadcast_in_dim3A_520 : vector<16x1xi32> to vector<16xi32>
      %gather3A_522 = tpu.dynamic_gather %add3A_509[%gather3A_521] in [0] : vector<16xf32>, vector<16xi32> -> vector<16xf32>
      %add3A_523 = arith.addf %add3A_509, %gather3A_522 : vector<16xf32>
      %neg3A = arith.constant 0.000000e+00 : f32
      %neg3A_524 = vector.broadcast %neg3A : f32 to vector<16xf32>
      %neg3A_525 = arith.subf %neg3A_524, %add3A_523 : vector<16xf32>
      %jit3A = arith.constant 1.000000e+00 : f32
      %broadcast_in_dim3A_526 = vector.broadcast %jit3A : f32 to vector<16xf32>
      %select_n3A_527 = arith.select %gt3A_355, %broadcast_in_dim3A_526, %neg3A_525 : vector<16xi1>, vector<16xf32>
      %swap3A_528 = arith.constant 0 : index
      %swap3A_529 = tpu.vector_load %arg6[%swap3A_528] {strides = array<i32>} : memref<16xf32, #tpu.memory_space<vmem>>, vector<16xf32>,
      tpu.vector_store %arg6[%swap3A_528], %select_n3A_527 {strides = array<i32>} : memref<16xf32, #tpu.memory_space<vmem>>, vector<16xf32>,
      %mul3A_530 = arith.constant 16 : i32
      %mul3A_531 = arith.muli %arg1, %mul3A_530 : i32
      "tpu.region"() ({
        %run_scoped3A = tpu.sem_alloc : memref<!tpu.dma_semaphore, #tpu.memory_space<semaphore_mem>>
        %dma_start3A = tpu.memref_slice %arg3[%mul3A_531] : memref<256xf32, #tpu.memory_space<hbm>> -> memref<16xf32, #tpu.memory_space<hbm>>
        %dma_start3A_532 = tpu.memref_slice %arg3[%mul3A_531] : memref<256xf32, #tpu.memory_space<hbm>> -> memref<16xf32, #tpu.memory_space<hbm>>
        tpu.enqueue_dma source(%arg6 : memref<16xf32, #tpu.memory_space<vmem>>) target(%dma_start3A_532 : memref<16xf32, #tpu.memory_space<hbm>>) target_semaphore(%run_scoped3A : memref<!tpu.dma_semaphore, #tpu.memory_space<semaphore_mem>>)
        %dma_wait3A = tpu.memref_slice %arg3[%mul3A_531] : memref<256xf32, #tpu.memory_space<hbm>> -> memref<16xf32, #tpu.memory_space<hbm>>
        %dma_wait3A_533 = tpu.memref_slice %arg3[%mul3A_531] : memref<256xf32, #tpu.memory_space<hbm>> -> memref<16xf32, #tpu.memory_space<hbm>>
        tpu.wait_dma2 semaphore(%run_scoped3A : memref<!tpu.dma_semaphore, #tpu.memory_space<semaphore_mem>>) src(%arg6 : memref<16xf32, #tpu.memory_space<vmem>>) dst(%dma_wait3A_533 : memref<16xf32, #tpu.memory_space<hbm>>)
        tpu.yield
      }) : () -> ()
    } else {
    }
    return
  }
}

module attributes {stable_mosaic.version = 14 : i64} {
  func.func @_resize_body(%arg0: i32, %arg1: memref<3x224x224xf32, #tpu.memory_space<vmem>>, %arg2: memref<224x28xf32, #tpu.memory_space<vmem>>, %arg3: memref<3072xf32, #tpu.memory_space<vmem>>) attributes {dimension_semantics = [#tpu.dimension_semantics<arbitrary>], iteration_bounds = array<i64: 16>, scalar_prefetch = 0 : i64, scratch_operands = 0 : i64, tpu.core_type = #tpu.core_type<tc>, window_params = [{transform_indices = @transform_0, window_bounds = array<i64: 3, 224, 224>}, {pipeline_mode = #tpu.pipeline_mode<synchronous>, transform_indices = @transform_1, window_bounds = array<i64: 224, 28>}, {transform_indices = @transform_2, window_bounds = array<i64: 3072>}]} {
    %get3A = arith.constant 0 : index
    %get3A_0 = arith.constant 0 : index
    %get3A_1 = arith.constant 0 : index
    %get3A_2 = vector.load %arg1[%get3A, %get3A_0, %get3A_1] : memref<3x224x224xf32, #tpu.memory_space<vmem>>, vector<3x224x224xf32>
    %get3A_3 = arith.constant 0 : index
    %get3A_4 = arith.constant 0 : index
    %get3A_5 = vector.load %arg2[%get3A_3, %get3A_4] : memref<224x28xf32, #tpu.memory_space<vmem>>, vector<224x28xf32>
    %dot_general3A = arith.constant dense<0.000000e+00> : vector<3x224x28xf32>
    %dot_general3A_6 = tpu.matmul %get3A_2, %get3A_5, %dot_general3A {dimension_numbers = #tpu.dot_dimension_numbers<[2], [0], [0, 1], [1], [0, 0, 0, 1, 1, 1], [], []>, precision = #tpu.contract_precision<fp32>, transpose_lhs_hint = false} : vector<3x224x224xf32>, vector<224x28xf32>, vector<3x224x28xf32> -> vector<3x224x28xf32>
    %dot_general3A_7 = arith.constant dense<0.000000e+00> : vector<3x28x28xf32>
    %dot_general3A_8 = tpu.matmul %dot_general3A_6, %get3A_5, %dot_general3A_7 {dimension_numbers = #tpu.dot_dimension_numbers<[1], [0], [0, 2], [1], [0, 0, 0, 2, 1, 1], [], []>, precision = #tpu.contract_precision<fp32>, transpose_lhs_hint = false} : vector<3x224x28xf32>, vector<224x28xf32>, vector<3x28x28xf32> -> vector<3x28x28xf32>
    %reshape3A = vector.shape_cast %dot_general3A_8 : vector<3x28x28xf32> to vector<84x28xf32>
    %slice3A = vector.extract_strided_slice %reshape3A {offsets = [0, 0], sizes = [1, 28], strides = [1, 1]} : vector<84x28xf32> to vector<1x28xf32>
    %squeeze3A = vector.shape_cast %slice3A : vector<1x28xf32> to vector<28xf32>
    %swap3A = arith.constant 0 : index
    %swap3A_9 = vector.load %arg3[%swap3A] : memref<3072xf32, #tpu.memory_space<vmem>>, vector<28xf32>
    tpu.vector_store %arg3[%swap3A], %squeeze3A {strides = array<i32>} : memref<3072xf32, #tpu.memory_space<vmem>>, vector<28xf32>,
    %slice3A_10 = vector.extract_strided_slice %reshape3A {offsets = [1, 0], sizes = [1, 28], strides = [1, 1]} : vector<84x28xf32> to vector<1x28xf32>
    %squeeze3A_11 = vector.shape_cast %slice3A_10 : vector<1x28xf32> to vector<28xf32>
    %swap3A_12 = arith.constant 28 : index
    %swap3A_13 = vector.load %arg3[%swap3A_12] : memref<3072xf32, #tpu.memory_space<vmem>>, vector<28xf32>
    tpu.vector_store %arg3[%swap3A_12], %squeeze3A_11 {strides = array<i32>} : memref<3072xf32, #tpu.memory_space<vmem>>, vector<28xf32>,
    %slice3A_14 = vector.extract_strided_slice %reshape3A {offsets = [2, 0], sizes = [1, 28], strides = [1, 1]} : vector<84x28xf32> to vector<1x28xf32>
    %squeeze3A_15 = vector.shape_cast %slice3A_14 : vector<1x28xf32> to vector<28xf32>
    %swap3A_16 = arith.constant 56 : index
    %swap3A_17 = vector.load %arg3[%swap3A_16] : memref<3072xf32, #tpu.memory_space<vmem>>, vector<28xf32>
    tpu.vector_store %arg3[%swap3A_16], %squeeze3A_15 {strides = array<i32>} : memref<3072xf32, #tpu.memory_space<vmem>>, vector<28xf32>,
    %slice3A_18 = vector.extract_strided_slice %reshape3A {offsets = [3, 0], sizes = [1, 28], strides = [1, 1]} : vector<84x28xf32> to vector<1x28xf32>
    %squeeze3A_19 = vector.shape_cast %slice3A_18 : vector<1x28xf32> to vector<28xf32>
    %swap3A_20 = arith.constant 84 : index
    %swap3A_21 = vector.load %arg3[%swap3A_20] : memref<3072xf32, #tpu.memory_space<vmem>>, vector<28xf32>
    tpu.vector_store %arg3[%swap3A_20], %squeeze3A_19 {strides = array<i32>} : memref<3072xf32, #tpu.memory_space<vmem>>, vector<28xf32>,
    %slice3A_22 = vector.extract_strided_slice %reshape3A {offsets = [4, 0], sizes = [1, 28], strides = [1, 1]} : vector<84x28xf32> to vector<1x28xf32>
    %squeeze3A_23 = vector.shape_cast %slice3A_22 : vector<1x28xf32> to vector<28xf32>
    %swap3A_24 = arith.constant 112 : index
    %swap3A_25 = vector.load %arg3[%swap3A_24] : memref<3072xf32, #tpu.memory_space<vmem>>, vector<28xf32>
    tpu.vector_store %arg3[%swap3A_24], %squeeze3A_23 {strides = array<i32>} : memref<3072xf32, #tpu.memory_space<vmem>>, vector<28xf32>,
    %slice3A_26 = vector.extract_strided_slice %reshape3A {offsets = [5, 0], sizes = [1, 28], strides = [1, 1]} : vector<84x28xf32> to vector<1x28xf32>
    %squeeze3A_27 = vector.shape_cast %slice3A_26 : vector<1x28xf32> to vector<28xf32>
    %swap3A_28 = arith.constant 140 : index
    %swap3A_29 = vector.load %arg3[%swap3A_28] : memref<3072xf32, #tpu.memory_space<vmem>>, vector<28xf32>
    tpu.vector_store %arg3[%swap3A_28], %squeeze3A_27 {strides = array<i32>} : memref<3072xf32, #tpu.memory_space<vmem>>, vector<28xf32>,
    %slice3A_30 = vector.extract_strided_slice %reshape3A {offsets = [6, 0], sizes = [1, 28], strides = [1, 1]} : vector<84x28xf32> to vector<1x28xf32>
    %squeeze3A_31 = vector.shape_cast %slice3A_30 : vector<1x28xf32> to vector<28xf32>
    %swap3A_32 = arith.constant 168 : index
    %swap3A_33 = vector.load %arg3[%swap3A_32] : memref<3072xf32, #tpu.memory_space<vmem>>, vector<28xf32>
    tpu.vector_store %arg3[%swap3A_32], %squeeze3A_31 {strides = array<i32>} : memref<3072xf32, #tpu.memory_space<vmem>>, vector<28xf32>,
    %slice3A_34 = vector.extract_strided_slice %reshape3A {offsets = [7, 0], sizes = [1, 28], strides = [1, 1]} : vector<84x28xf32> to vector<1x28xf32>
    %squeeze3A_35 = vector.shape_cast %slice3A_34 : vector<1x28xf32> to vector<28xf32>
    %swap3A_36 = arith.constant 196 : index
    %swap3A_37 = vector.load %arg3[%swap3A_36] : memref<3072xf32, #tpu.memory_space<vmem>>, vector<28xf32>
    tpu.vector_store %arg3[%swap3A_36], %squeeze3A_35 {strides = array<i32>} : memref<3072xf32, #tpu.memory_space<vmem>>, vector<28xf32>,
    %slice3A_38 = vector.extract_strided_slice %reshape3A {offsets = [8, 0], sizes = [1, 28], strides = [1, 1]} : vector<84x28xf32> to vector<1x28xf32>
    %squeeze3A_39 = vector.shape_cast %slice3A_38 : vector<1x28xf32> to vector<28xf32>
    %swap3A_40 = arith.constant 224 : index
    %swap3A_41 = vector.load %arg3[%swap3A_40] : memref<3072xf32, #tpu.memory_space<vmem>>, vector<28xf32>
    tpu.vector_store %arg3[%swap3A_40], %squeeze3A_39 {strides = array<i32>} : memref<3072xf32, #tpu.memory_space<vmem>>, vector<28xf32>,
    %slice3A_42 = vector.extract_strided_slice %reshape3A {offsets = [9, 0], sizes = [1, 28], strides = [1, 1]} : vector<84x28xf32> to vector<1x28xf32>
    %squeeze3A_43 = vector.shape_cast %slice3A_42 : vector<1x28xf32> to vector<28xf32>
    %swap3A_44 = arith.constant 252 : index
    %swap3A_45 = vector.load %arg3[%swap3A_44] : memref<3072xf32, #tpu.memory_space<vmem>>, vector<28xf32>
    tpu.vector_store %arg3[%swap3A_44], %squeeze3A_43 {strides = array<i32>} : memref<3072xf32, #tpu.memory_space<vmem>>, vector<28xf32>,
    %slice3A_46 = vector.extract_strided_slice %reshape3A {offsets = [10, 0], sizes = [1, 28], strides = [1, 1]} : vector<84x28xf32> to vector<1x28xf32>
    %squeeze3A_47 = vector.shape_cast %slice3A_46 : vector<1x28xf32> to vector<28xf32>
    %swap3A_48 = arith.constant 280 : index
    %swap3A_49 = vector.load %arg3[%swap3A_48] : memref<3072xf32, #tpu.memory_space<vmem>>, vector<28xf32>
    tpu.vector_store %arg3[%swap3A_48], %squeeze3A_47 {strides = array<i32>} : memref<3072xf32, #tpu.memory_space<vmem>>, vector<28xf32>,
    %slice3A_50 = vector.extract_strided_slice %reshape3A {offsets = [11, 0], sizes = [1, 28], strides = [1, 1]} : vector<84x28xf32> to vector<1x28xf32>
    %squeeze3A_51 = vector.shape_cast %slice3A_50 : vector<1x28xf32> to vector<28xf32>
    %swap3A_52 = arith.constant 308 : index
    %swap3A_53 = vector.load %arg3[%swap3A_52] : memref<3072xf32, #tpu.memory_space<vmem>>, vector<28xf32>
    tpu.vector_store %arg3[%swap3A_52], %squeeze3A_51 {strides = array<i32>} : memref<3072xf32, #tpu.memory_space<vmem>>, vector<28xf32>,
    %slice3A_54 = vector.extract_strided_slice %reshape3A {offsets = [12, 0], sizes = [1, 28], strides = [1, 1]} : vector<84x28xf32> to vector<1x28xf32>
    %squeeze3A_55 = vector.shape_cast %slice3A_54 : vector<1x28xf32> to vector<28xf32>
    %swap3A_56 = arith.constant 336 : index
    %swap3A_57 = vector.load %arg3[%swap3A_56] : memref<3072xf32, #tpu.memory_space<vmem>>, vector<28xf32>
    tpu.vector_store %arg3[%swap3A_56], %squeeze3A_55 {strides = array<i32>} : memref<3072xf32, #tpu.memory_space<vmem>>, vector<28xf32>,
    %slice3A_58 = vector.extract_strided_slice %reshape3A {offsets = [13, 0], sizes = [1, 28], strides = [1, 1]} : vector<84x28xf32> to vector<1x28xf32>
    %squeeze3A_59 = vector.shape_cast %slice3A_58 : vector<1x28xf32> to vector<28xf32>
    %swap3A_60 = arith.constant 364 : index
    %swap3A_61 = vector.load %arg3[%swap3A_60] : memref<3072xf32, #tpu.memory_space<vmem>>, vector<28xf32>
    tpu.vector_store %arg3[%swap3A_60], %squeeze3A_59 {strides = array<i32>} : memref<3072xf32, #tpu.memory_space<vmem>>, vector<28xf32>,
    %slice3A_62 = vector.extract_strided_slice %reshape3A {offsets = [14, 0], sizes = [1, 28], strides = [1, 1]} : vector<84x28xf32> to vector<1x28xf32>
    %squeeze3A_63 = vector.shape_cast %slice3A_62 : vector<1x28xf32> to vector<28xf32>
    %swap3A_64 = arith.constant 392 : index
    %swap3A_65 = vector.load %arg3[%swap3A_64] : memref<3072xf32, #tpu.memory_space<vmem>>, vector<28xf32>
    tpu.vector_store %arg3[%swap3A_64], %squeeze3A_63 {strides = array<i32>} : memref<3072xf32, #tpu.memory_space<vmem>>, vector<28xf32>,
    %slice3A_66 = vector.extract_strided_slice %reshape3A {offsets = [15, 0], sizes = [1, 28], strides = [1, 1]} : vector<84x28xf32> to vector<1x28xf32>
    %squeeze3A_67 = vector.shape_cast %slice3A_66 : vector<1x28xf32> to vector<28xf32>
    %swap3A_68 = arith.constant 420 : index
    %swap3A_69 = vector.load %arg3[%swap3A_68] : memref<3072xf32, #tpu.memory_space<vmem>>, vector<28xf32>
    tpu.vector_store %arg3[%swap3A_68], %squeeze3A_67 {strides = array<i32>} : memref<3072xf32, #tpu.memory_space<vmem>>, vector<28xf32>,
    %slice3A_70 = vector.extract_strided_slice %reshape3A {offsets = [16, 0], sizes = [1, 28], strides = [1, 1]} : vector<84x28xf32> to vector<1x28xf32>
    %squeeze3A_71 = vector.shape_cast %slice3A_70 : vector<1x28xf32> to vector<28xf32>
    %swap3A_72 = arith.constant 448 : index
    %swap3A_73 = vector.load %arg3[%swap3A_72] : memref<3072xf32, #tpu.memory_space<vmem>>, vector<28xf32>
    tpu.vector_store %arg3[%swap3A_72], %squeeze3A_71 {strides = array<i32>} : memref<3072xf32, #tpu.memory_space<vmem>>, vector<28xf32>,
    %slice3A_74 = vector.extract_strided_slice %reshape3A {offsets = [17, 0], sizes = [1, 28], strides = [1, 1]} : vector<84x28xf32> to vector<1x28xf32>
    %squeeze3A_75 = vector.shape_cast %slice3A_74 : vector<1x28xf32> to vector<28xf32>
    %swap3A_76 = arith.constant 476 : index
    %swap3A_77 = vector.load %arg3[%swap3A_76] : memref<3072xf32, #tpu.memory_space<vmem>>, vector<28xf32>
    tpu.vector_store %arg3[%swap3A_76], %squeeze3A_75 {strides = array<i32>} : memref<3072xf32, #tpu.memory_space<vmem>>, vector<28xf32>,
    %slice3A_78 = vector.extract_strided_slice %reshape3A {offsets = [18, 0], sizes = [1, 28], strides = [1, 1]} : vector<84x28xf32> to vector<1x28xf32>
    %squeeze3A_79 = vector.shape_cast %slice3A_78 : vector<1x28xf32> to vector<28xf32>
    %swap3A_80 = arith.constant 504 : index
    %swap3A_81 = vector.load %arg3[%swap3A_80] : memref<3072xf32, #tpu.memory_space<vmem>>, vector<28xf32>
    tpu.vector_store %arg3[%swap3A_80], %squeeze3A_79 {strides = array<i32>} : memref<3072xf32, #tpu.memory_space<vmem>>, vector<28xf32>,
    %slice3A_82 = vector.extract_strided_slice %reshape3A {offsets = [19, 0], sizes = [1, 28], strides = [1, 1]} : vector<84x28xf32> to vector<1x28xf32>
    %squeeze3A_83 = vector.shape_cast %slice3A_82 : vector<1x28xf32> to vector<28xf32>
    %swap3A_84 = arith.constant 532 : index
    %swap3A_85 = vector.load %arg3[%swap3A_84] : memref<3072xf32, #tpu.memory_space<vmem>>, vector<28xf32>
    tpu.vector_store %arg3[%swap3A_84], %squeeze3A_83 {strides = array<i32>} : memref<3072xf32, #tpu.memory_space<vmem>>, vector<28xf32>,
    %slice3A_86 = vector.extract_strided_slice %reshape3A {offsets = [20, 0], sizes = [1, 28], strides = [1, 1]} : vector<84x28xf32> to vector<1x28xf32>
    %squeeze3A_87 = vector.shape_cast %slice3A_86 : vector<1x28xf32> to vector<28xf32>
    %swap3A_88 = arith.constant 560 : index
    %swap3A_89 = vector.load %arg3[%swap3A_88] : memref<3072xf32, #tpu.memory_space<vmem>>, vector<28xf32>
    tpu.vector_store %arg3[%swap3A_88], %squeeze3A_87 {strides = array<i32>} : memref<3072xf32, #tpu.memory_space<vmem>>, vector<28xf32>,
    %slice3A_90 = vector.extract_strided_slice %reshape3A {offsets = [21, 0], sizes = [1, 28], strides = [1, 1]} : vector<84x28xf32> to vector<1x28xf32>
    %squeeze3A_91 = vector.shape_cast %slice3A_90 : vector<1x28xf32> to vector<28xf32>
    %swap3A_92 = arith.constant 588 : index
    %swap3A_93 = vector.load %arg3[%swap3A_92] : memref<3072xf32, #tpu.memory_space<vmem>>, vector<28xf32>
    tpu.vector_store %arg3[%swap3A_92], %squeeze3A_91 {strides = array<i32>} : memref<3072xf32, #tpu.memory_space<vmem>>, vector<28xf32>,
    %slice3A_94 = vector.extract_strided_slice %reshape3A {offsets = [22, 0], sizes = [1, 28], strides = [1, 1]} : vector<84x28xf32> to vector<1x28xf32>
    %squeeze3A_95 = vector.shape_cast %slice3A_94 : vector<1x28xf32> to vector<28xf32>
    %swap3A_96 = arith.constant 616 : index
    %swap3A_97 = vector.load %arg3[%swap3A_96] : memref<3072xf32, #tpu.memory_space<vmem>>, vector<28xf32>
    tpu.vector_store %arg3[%swap3A_96], %squeeze3A_95 {strides = array<i32>} : memref<3072xf32, #tpu.memory_space<vmem>>, vector<28xf32>,
    %slice3A_98 = vector.extract_strided_slice %reshape3A {offsets = [23, 0], sizes = [1, 28], strides = [1, 1]} : vector<84x28xf32> to vector<1x28xf32>
    %squeeze3A_99 = vector.shape_cast %slice3A_98 : vector<1x28xf32> to vector<28xf32>
    %swap3A_100 = arith.constant 644 : index
    %swap3A_101 = vector.load %arg3[%swap3A_100] : memref<3072xf32, #tpu.memory_space<vmem>>, vector<28xf32>
    tpu.vector_store %arg3[%swap3A_100], %squeeze3A_99 {strides = array<i32>} : memref<3072xf32, #tpu.memory_space<vmem>>, vector<28xf32>,
    %slice3A_102 = vector.extract_strided_slice %reshape3A {offsets = [24, 0], sizes = [1, 28], strides = [1, 1]} : vector<84x28xf32> to vector<1x28xf32>
    %squeeze3A_103 = vector.shape_cast %slice3A_102 : vector<1x28xf32> to vector<28xf32>
    %swap3A_104 = arith.constant 672 : index
    %swap3A_105 = vector.load %arg3[%swap3A_104] : memref<3072xf32, #tpu.memory_space<vmem>>, vector<28xf32>
    tpu.vector_store %arg3[%swap3A_104], %squeeze3A_103 {strides = array<i32>} : memref<3072xf32, #tpu.memory_space<vmem>>, vector<28xf32>,
    %slice3A_106 = vector.extract_strided_slice %reshape3A {offsets = [25, 0], sizes = [1, 28], strides = [1, 1]} : vector<84x28xf32> to vector<1x28xf32>
    %squeeze3A_107 = vector.shape_cast %slice3A_106 : vector<1x28xf32> to vector<28xf32>
    %swap3A_108 = arith.constant 700 : index
    %swap3A_109 = vector.load %arg3[%swap3A_108] : memref<3072xf32, #tpu.memory_space<vmem>>, vector<28xf32>
    tpu.vector_store %arg3[%swap3A_108], %squeeze3A_107 {strides = array<i32>} : memref<3072xf32, #tpu.memory_space<vmem>>, vector<28xf32>,
    %slice3A_110 = vector.extract_strided_slice %reshape3A {offsets = [26, 0], sizes = [1, 28], strides = [1, 1]} : vector<84x28xf32> to vector<1x28xf32>
    %squeeze3A_111 = vector.shape_cast %slice3A_110 : vector<1x28xf32> to vector<28xf32>
    %swap3A_112 = arith.constant 728 : index
    %swap3A_113 = vector.load %arg3[%swap3A_112] : memref<3072xf32, #tpu.memory_space<vmem>>, vector<28xf32>
    tpu.vector_store %arg3[%swap3A_112], %squeeze3A_111 {strides = array<i32>} : memref<3072xf32, #tpu.memory_space<vmem>>, vector<28xf32>,
    %slice3A_114 = vector.extract_strided_slice %reshape3A {offsets = [27, 0], sizes = [1, 28], strides = [1, 1]} : vector<84x28xf32> to vector<1x28xf32>
    %squeeze3A_115 = vector.shape_cast %slice3A_114 : vector<1x28xf32> to vector<28xf32>
    %swap3A_116 = arith.constant 756 : index
    %swap3A_117 = vector.load %arg3[%swap3A_116] : memref<3072xf32, #tpu.memory_space<vmem>>, vector<28xf32>
    tpu.vector_store %arg3[%swap3A_116], %squeeze3A_115 {strides = array<i32>} : memref<3072xf32, #tpu.memory_space<vmem>>, vector<28xf32>,
    %slice3A_118 = vector.extract_strided_slice %reshape3A {offsets = [28, 0], sizes = [1, 28], strides = [1, 1]} : vector<84x28xf32> to vector<1x28xf32>
    %squeeze3A_119 = vector.shape_cast %slice3A_118 : vector<1x28xf32> to vector<28xf32>
    %swap3A_120 = arith.constant 784 : index
    %swap3A_121 = vector.load %arg3[%swap3A_120] : memref<3072xf32, #tpu.memory_space<vmem>>, vector<28xf32>
    tpu.vector_store %arg3[%swap3A_120], %squeeze3A_119 {strides = array<i32>} : memref<3072xf32, #tpu.memory_space<vmem>>, vector<28xf32>,
    %slice3A_122 = vector.extract_strided_slice %reshape3A {offsets = [29, 0], sizes = [1, 28], strides = [1, 1]} : vector<84x28xf32> to vector<1x28xf32>
    %squeeze3A_123 = vector.shape_cast %slice3A_122 : vector<1x28xf32> to vector<28xf32>
    %swap3A_124 = arith.constant 812 : index
    %swap3A_125 = vector.load %arg3[%swap3A_124] : memref<3072xf32, #tpu.memory_space<vmem>>, vector<28xf32>
    tpu.vector_store %arg3[%swap3A_124], %squeeze3A_123 {strides = array<i32>} : memref<3072xf32, #tpu.memory_space<vmem>>, vector<28xf32>,
    %slice3A_126 = vector.extract_strided_slice %reshape3A {offsets = [30, 0], sizes = [1, 28], strides = [1, 1]} : vector<84x28xf32> to vector<1x28xf32>
    %squeeze3A_127 = vector.shape_cast %slice3A_126 : vector<1x28xf32> to vector<28xf32>
    %swap3A_128 = arith.constant 840 : index
    %swap3A_129 = vector.load %arg3[%swap3A_128] : memref<3072xf32, #tpu.memory_space<vmem>>, vector<28xf32>
    tpu.vector_store %arg3[%swap3A_128], %squeeze3A_127 {strides = array<i32>} : memref<3072xf32, #tpu.memory_space<vmem>>, vector<28xf32>,
    %slice3A_130 = vector.extract_strided_slice %reshape3A {offsets = [31, 0], sizes = [1, 28], strides = [1, 1]} : vector<84x28xf32> to vector<1x28xf32>
    %squeeze3A_131 = vector.shape_cast %slice3A_130 : vector<1x28xf32> to vector<28xf32>
    %swap3A_132 = arith.constant 868 : index
    %swap3A_133 = vector.load %arg3[%swap3A_132] : memref<3072xf32, #tpu.memory_space<vmem>>, vector<28xf32>
    tpu.vector_store %arg3[%swap3A_132], %squeeze3A_131 {strides = array<i32>} : memref<3072xf32, #tpu.memory_space<vmem>>, vector<28xf32>,
    %slice3A_134 = vector.extract_strided_slice %reshape3A {offsets = [32, 0], sizes = [1, 28], strides = [1, 1]} : vector<84x28xf32> to vector<1x28xf32>
    %squeeze3A_135 = vector.shape_cast %slice3A_134 : vector<1x28xf32> to vector<28xf32>
    %swap3A_136 = arith.constant 896 : index
    %swap3A_137 = vector.load %arg3[%swap3A_136] : memref<3072xf32, #tpu.memory_space<vmem>>, vector<28xf32>
    tpu.vector_store %arg3[%swap3A_136], %squeeze3A_135 {strides = array<i32>} : memref<3072xf32, #tpu.memory_space<vmem>>, vector<28xf32>,
    %slice3A_138 = vector.extract_strided_slice %reshape3A {offsets = [33, 0], sizes = [1, 28], strides = [1, 1]} : vector<84x28xf32> to vector<1x28xf32>
    %squeeze3A_139 = vector.shape_cast %slice3A_138 : vector<1x28xf32> to vector<28xf32>
    %swap3A_140 = arith.constant 924 : index
    %swap3A_141 = vector.load %arg3[%swap3A_140] : memref<3072xf32, #tpu.memory_space<vmem>>, vector<28xf32>
    tpu.vector_store %arg3[%swap3A_140], %squeeze3A_139 {strides = array<i32>} : memref<3072xf32, #tpu.memory_space<vmem>>, vector<28xf32>,
    %slice3A_142 = vector.extract_strided_slice %reshape3A {offsets = [34, 0], sizes = [1, 28], strides = [1, 1]} : vector<84x28xf32> to vector<1x28xf32>
    %squeeze3A_143 = vector.shape_cast %slice3A_142 : vector<1x28xf32> to vector<28xf32>
    %swap3A_144 = arith.constant 952 : index
    %swap3A_145 = vector.load %arg3[%swap3A_144] : memref<3072xf32, #tpu.memory_space<vmem>>, vector<28xf32>
    tpu.vector_store %arg3[%swap3A_144], %squeeze3A_143 {strides = array<i32>} : memref<3072xf32, #tpu.memory_space<vmem>>, vector<28xf32>,
    %slice3A_146 = vector.extract_strided_slice %reshape3A {offsets = [35, 0], sizes = [1, 28], strides = [1, 1]} : vector<84x28xf32> to vector<1x28xf32>
    %squeeze3A_147 = vector.shape_cast %slice3A_146 : vector<1x28xf32> to vector<28xf32>
    %swap3A_148 = arith.constant 980 : index
    %swap3A_149 = vector.load %arg3[%swap3A_148] : memref<3072xf32, #tpu.memory_space<vmem>>, vector<28xf32>
    tpu.vector_store %arg3[%swap3A_148], %squeeze3A_147 {strides = array<i32>} : memref<3072xf32, #tpu.memory_space<vmem>>, vector<28xf32>,
    %slice3A_150 = vector.extract_strided_slice %reshape3A {offsets = [36, 0], sizes = [1, 28], strides = [1, 1]} : vector<84x28xf32> to vector<1x28xf32>
    %squeeze3A_151 = vector.shape_cast %slice3A_150 : vector<1x28xf32> to vector<28xf32>
    %swap3A_152 = arith.constant 1008 : index
    %swap3A_153 = vector.load %arg3[%swap3A_152] : memref<3072xf32, #tpu.memory_space<vmem>>, vector<28xf32>
    tpu.vector_store %arg3[%swap3A_152], %squeeze3A_151 {strides = array<i32>} : memref<3072xf32, #tpu.memory_space<vmem>>, vector<28xf32>,
    %slice3A_154 = vector.extract_strided_slice %reshape3A {offsets = [37, 0], sizes = [1, 28], strides = [1, 1]} : vector<84x28xf32> to vector<1x28xf32>
    %squeeze3A_155 = vector.shape_cast %slice3A_154 : vector<1x28xf32> to vector<28xf32>
    %swap3A_156 = arith.constant 1036 : index
    %swap3A_157 = vector.load %arg3[%swap3A_156] : memref<3072xf32, #tpu.memory_space<vmem>>, vector<28xf32>
    tpu.vector_store %arg3[%swap3A_156], %squeeze3A_155 {strides = array<i32>} : memref<3072xf32, #tpu.memory_space<vmem>>, vector<28xf32>,
    %slice3A_158 = vector.extract_strided_slice %reshape3A {offsets = [38, 0], sizes = [1, 28], strides = [1, 1]} : vector<84x28xf32> to vector<1x28xf32>
    %squeeze3A_159 = vector.shape_cast %slice3A_158 : vector<1x28xf32> to vector<28xf32>
    %swap3A_160 = arith.constant 1064 : index
    %swap3A_161 = vector.load %arg3[%swap3A_160] : memref<3072xf32, #tpu.memory_space<vmem>>, vector<28xf32>
    tpu.vector_store %arg3[%swap3A_160], %squeeze3A_159 {strides = array<i32>} : memref<3072xf32, #tpu.memory_space<vmem>>, vector<28xf32>,
    %slice3A_162 = vector.extract_strided_slice %reshape3A {offsets = [39, 0], sizes = [1, 28], strides = [1, 1]} : vector<84x28xf32> to vector<1x28xf32>
    %squeeze3A_163 = vector.shape_cast %slice3A_162 : vector<1x28xf32> to vector<28xf32>
    %swap3A_164 = arith.constant 1092 : index
    %swap3A_165 = vector.load %arg3[%swap3A_164] : memref<3072xf32, #tpu.memory_space<vmem>>, vector<28xf32>
    tpu.vector_store %arg3[%swap3A_164], %squeeze3A_163 {strides = array<i32>} : memref<3072xf32, #tpu.memory_space<vmem>>, vector<28xf32>,
    %slice3A_166 = vector.extract_strided_slice %reshape3A {offsets = [40, 0], sizes = [1, 28], strides = [1, 1]} : vector<84x28xf32> to vector<1x28xf32>
    %squeeze3A_167 = vector.shape_cast %slice3A_166 : vector<1x28xf32> to vector<28xf32>
    %swap3A_168 = arith.constant 1120 : index
    %swap3A_169 = vector.load %arg3[%swap3A_168] : memref<3072xf32, #tpu.memory_space<vmem>>, vector<28xf32>
    tpu.vector_store %arg3[%swap3A_168], %squeeze3A_167 {strides = array<i32>} : memref<3072xf32, #tpu.memory_space<vmem>>, vector<28xf32>,
    %slice3A_170 = vector.extract_strided_slice %reshape3A {offsets = [41, 0], sizes = [1, 28], strides = [1, 1]} : vector<84x28xf32> to vector<1x28xf32>
    %squeeze3A_171 = vector.shape_cast %slice3A_170 : vector<1x28xf32> to vector<28xf32>
    %swap3A_172 = arith.constant 1148 : index
    %swap3A_173 = vector.load %arg3[%swap3A_172] : memref<3072xf32, #tpu.memory_space<vmem>>, vector<28xf32>
    tpu.vector_store %arg3[%swap3A_172], %squeeze3A_171 {strides = array<i32>} : memref<3072xf32, #tpu.memory_space<vmem>>, vector<28xf32>,
    %slice3A_174 = vector.extract_strided_slice %reshape3A {offsets = [42, 0], sizes = [1, 28], strides = [1, 1]} : vector<84x28xf32> to vector<1x28xf32>
    %squeeze3A_175 = vector.shape_cast %slice3A_174 : vector<1x28xf32> to vector<28xf32>
    %swap3A_176 = arith.constant 1176 : index
    %swap3A_177 = vector.load %arg3[%swap3A_176] : memref<3072xf32, #tpu.memory_space<vmem>>, vector<28xf32>
    tpu.vector_store %arg3[%swap3A_176], %squeeze3A_175 {strides = array<i32>} : memref<3072xf32, #tpu.memory_space<vmem>>, vector<28xf32>,
    %slice3A_178 = vector.extract_strided_slice %reshape3A {offsets = [43, 0], sizes = [1, 28], strides = [1, 1]} : vector<84x28xf32> to vector<1x28xf32>
    %squeeze3A_179 = vector.shape_cast %slice3A_178 : vector<1x28xf32> to vector<28xf32>
    %swap3A_180 = arith.constant 1204 : index
    %swap3A_181 = vector.load %arg3[%swap3A_180] : memref<3072xf32, #tpu.memory_space<vmem>>, vector<28xf32>
    tpu.vector_store %arg3[%swap3A_180], %squeeze3A_179 {strides = array<i32>} : memref<3072xf32, #tpu.memory_space<vmem>>, vector<28xf32>,
    %slice3A_182 = vector.extract_strided_slice %reshape3A {offsets = [44, 0], sizes = [1, 28], strides = [1, 1]} : vector<84x28xf32> to vector<1x28xf32>
    %squeeze3A_183 = vector.shape_cast %slice3A_182 : vector<1x28xf32> to vector<28xf32>
    %swap3A_184 = arith.constant 1232 : index
    %swap3A_185 = vector.load %arg3[%swap3A_184] : memref<3072xf32, #tpu.memory_space<vmem>>, vector<28xf32>
    tpu.vector_store %arg3[%swap3A_184], %squeeze3A_183 {strides = array<i32>} : memref<3072xf32, #tpu.memory_space<vmem>>, vector<28xf32>,
    %slice3A_186 = vector.extract_strided_slice %reshape3A {offsets = [45, 0], sizes = [1, 28], strides = [1, 1]} : vector<84x28xf32> to vector<1x28xf32>
    %squeeze3A_187 = vector.shape_cast %slice3A_186 : vector<1x28xf32> to vector<28xf32>
    %swap3A_188 = arith.constant 1260 : index
    %swap3A_189 = vector.load %arg3[%swap3A_188] : memref<3072xf32, #tpu.memory_space<vmem>>, vector<28xf32>
    tpu.vector_store %arg3[%swap3A_188], %squeeze3A_187 {strides = array<i32>} : memref<3072xf32, #tpu.memory_space<vmem>>, vector<28xf32>,
    %slice3A_190 = vector.extract_strided_slice %reshape3A {offsets = [46, 0], sizes = [1, 28], strides = [1, 1]} : vector<84x28xf32> to vector<1x28xf32>
    %squeeze3A_191 = vector.shape_cast %slice3A_190 : vector<1x28xf32> to vector<28xf32>
    %swap3A_192 = arith.constant 1288 : index
    %swap3A_193 = vector.load %arg3[%swap3A_192] : memref<3072xf32, #tpu.memory_space<vmem>>, vector<28xf32>
    tpu.vector_store %arg3[%swap3A_192], %squeeze3A_191 {strides = array<i32>} : memref<3072xf32, #tpu.memory_space<vmem>>, vector<28xf32>,
    %slice3A_194 = vector.extract_strided_slice %reshape3A {offsets = [47, 0], sizes = [1, 28], strides = [1, 1]} : vector<84x28xf32> to vector<1x28xf32>
    %squeeze3A_195 = vector.shape_cast %slice3A_194 : vector<1x28xf32> to vector<28xf32>
    %swap3A_196 = arith.constant 1316 : index
    %swap3A_197 = vector.load %arg3[%swap3A_196] : memref<3072xf32, #tpu.memory_space<vmem>>, vector<28xf32>
    tpu.vector_store %arg3[%swap3A_196], %squeeze3A_195 {strides = array<i32>} : memref<3072xf32, #tpu.memory_space<vmem>>, vector<28xf32>,
    %slice3A_198 = vector.extract_strided_slice %reshape3A {offsets = [48, 0], sizes = [1, 28], strides = [1, 1]} : vector<84x28xf32> to vector<1x28xf32>
    %squeeze3A_199 = vector.shape_cast %slice3A_198 : vector<1x28xf32> to vector<28xf32>
    %swap3A_200 = arith.constant 1344 : index
    %swap3A_201 = vector.load %arg3[%swap3A_200] : memref<3072xf32, #tpu.memory_space<vmem>>, vector<28xf32>
    tpu.vector_store %arg3[%swap3A_200], %squeeze3A_199 {strides = array<i32>} : memref<3072xf32, #tpu.memory_space<vmem>>, vector<28xf32>,
    %slice3A_202 = vector.extract_strided_slice %reshape3A {offsets = [49, 0], sizes = [1, 28], strides = [1, 1]} : vector<84x28xf32> to vector<1x28xf32>
    %squeeze3A_203 = vector.shape_cast %slice3A_202 : vector<1x28xf32> to vector<28xf32>
    %swap3A_204 = arith.constant 1372 : index
    %swap3A_205 = vector.load %arg3[%swap3A_204] : memref<3072xf32, #tpu.memory_space<vmem>>, vector<28xf32>
    tpu.vector_store %arg3[%swap3A_204], %squeeze3A_203 {strides = array<i32>} : memref<3072xf32, #tpu.memory_space<vmem>>, vector<28xf32>,
    %slice3A_206 = vector.extract_strided_slice %reshape3A {offsets = [50, 0], sizes = [1, 28], strides = [1, 1]} : vector<84x28xf32> to vector<1x28xf32>
    %squeeze3A_207 = vector.shape_cast %slice3A_206 : vector<1x28xf32> to vector<28xf32>
    %swap3A_208 = arith.constant 1400 : index
    %swap3A_209 = vector.load %arg3[%swap3A_208] : memref<3072xf32, #tpu.memory_space<vmem>>, vector<28xf32>
    tpu.vector_store %arg3[%swap3A_208], %squeeze3A_207 {strides = array<i32>} : memref<3072xf32, #tpu.memory_space<vmem>>, vector<28xf32>,
    %slice3A_210 = vector.extract_strided_slice %reshape3A {offsets = [51, 0], sizes = [1, 28], strides = [1, 1]} : vector<84x28xf32> to vector<1x28xf32>
    %squeeze3A_211 = vector.shape_cast %slice3A_210 : vector<1x28xf32> to vector<28xf32>
    %swap3A_212 = arith.constant 1428 : index
    %swap3A_213 = vector.load %arg3[%swap3A_212] : memref<3072xf32, #tpu.memory_space<vmem>>, vector<28xf32>
    tpu.vector_store %arg3[%swap3A_212], %squeeze3A_211 {strides = array<i32>} : memref<3072xf32, #tpu.memory_space<vmem>>, vector<28xf32>,
    %slice3A_214 = vector.extract_strided_slice %reshape3A {offsets = [52, 0], sizes = [1, 28], strides = [1, 1]} : vector<84x28xf32> to vector<1x28xf32>
    %squeeze3A_215 = vector.shape_cast %slice3A_214 : vector<1x28xf32> to vector<28xf32>
    %swap3A_216 = arith.constant 1456 : index
    %swap3A_217 = vector.load %arg3[%swap3A_216] : memref<3072xf32, #tpu.memory_space<vmem>>, vector<28xf32>
    tpu.vector_store %arg3[%swap3A_216], %squeeze3A_215 {strides = array<i32>} : memref<3072xf32, #tpu.memory_space<vmem>>, vector<28xf32>,
    %slice3A_218 = vector.extract_strided_slice %reshape3A {offsets = [53, 0], sizes = [1, 28], strides = [1, 1]} : vector<84x28xf32> to vector<1x28xf32>
    %squeeze3A_219 = vector.shape_cast %slice3A_218 : vector<1x28xf32> to vector<28xf32>
    %swap3A_220 = arith.constant 1484 : index
    %swap3A_221 = vector.load %arg3[%swap3A_220] : memref<3072xf32, #tpu.memory_space<vmem>>, vector<28xf32>
    tpu.vector_store %arg3[%swap3A_220], %squeeze3A_219 {strides = array<i32>} : memref<3072xf32, #tpu.memory_space<vmem>>, vector<28xf32>,
    %slice3A_222 = vector.extract_strided_slice %reshape3A {offsets = [54, 0], sizes = [1, 28], strides = [1, 1]} : vector<84x28xf32> to vector<1x28xf32>
    %squeeze3A_223 = vector.shape_cast %slice3A_222 : vector<1x28xf32> to vector<28xf32>
    %swap3A_224 = arith.constant 1512 : index
    %swap3A_225 = vector.load %arg3[%swap3A_224] : memref<3072xf32, #tpu.memory_space<vmem>>, vector<28xf32>
    tpu.vector_store %arg3[%swap3A_224], %squeeze3A_223 {strides = array<i32>} : memref<3072xf32, #tpu.memory_space<vmem>>, vector<28xf32>,
    %slice3A_226 = vector.extract_strided_slice %reshape3A {offsets = [55, 0], sizes = [1, 28], strides = [1, 1]} : vector<84x28xf32> to vector<1x28xf32>
    %squeeze3A_227 = vector.shape_cast %slice3A_226 : vector<1x28xf32> to vector<28xf32>
    %swap3A_228 = arith.constant 1540 : index
    %swap3A_229 = vector.load %arg3[%swap3A_228] : memref<3072xf32, #tpu.memory_space<vmem>>, vector<28xf32>
    tpu.vector_store %arg3[%swap3A_228], %squeeze3A_227 {strides = array<i32>} : memref<3072xf32, #tpu.memory_space<vmem>>, vector<28xf32>,
    %slice3A_230 = vector.extract_strided_slice %reshape3A {offsets = [56, 0], sizes = [1, 28], strides = [1, 1]} : vector<84x28xf32> to vector<1x28xf32>
    %squeeze3A_231 = vector.shape_cast %slice3A_230 : vector<1x28xf32> to vector<28xf32>
    %swap3A_232 = arith.constant 1568 : index
    %swap3A_233 = vector.load %arg3[%swap3A_232] : memref<3072xf32, #tpu.memory_space<vmem>>, vector<28xf32>
    tpu.vector_store %arg3[%swap3A_232], %squeeze3A_231 {strides = array<i32>} : memref<3072xf32, #tpu.memory_space<vmem>>, vector<28xf32>,
    %slice3A_234 = vector.extract_strided_slice %reshape3A {offsets = [57, 0], sizes = [1, 28], strides = [1, 1]} : vector<84x28xf32> to vector<1x28xf32>
    %squeeze3A_235 = vector.shape_cast %slice3A_234 : vector<1x28xf32> to vector<28xf32>
    %swap3A_236 = arith.constant 1596 : index
    %swap3A_237 = vector.load %arg3[%swap3A_236] : memref<3072xf32, #tpu.memory_space<vmem>>, vector<28xf32>
    tpu.vector_store %arg3[%swap3A_236], %squeeze3A_235 {strides = array<i32>} : memref<3072xf32, #tpu.memory_space<vmem>>, vector<28xf32>,
    %slice3A_238 = vector.extract_strided_slice %reshape3A {offsets = [58, 0], sizes = [1, 28], strides = [1, 1]} : vector<84x28xf32> to vector<1x28xf32>
    %squeeze3A_239 = vector.shape_cast %slice3A_238 : vector<1x28xf32> to vector<28xf32>
    %swap3A_240 = arith.constant 1624 : index
    %swap3A_241 = vector.load %arg3[%swap3A_240] : memref<3072xf32, #tpu.memory_space<vmem>>, vector<28xf32>
    tpu.vector_store %arg3[%swap3A_240], %squeeze3A_239 {strides = array<i32>} : memref<3072xf32, #tpu.memory_space<vmem>>, vector<28xf32>,
    %slice3A_242 = vector.extract_strided_slice %reshape3A {offsets = [59, 0], sizes = [1, 28], strides = [1, 1]} : vector<84x28xf32> to vector<1x28xf32>
    %squeeze3A_243 = vector.shape_cast %slice3A_242 : vector<1x28xf32> to vector<28xf32>
    %swap3A_244 = arith.constant 1652 : index
    %swap3A_245 = vector.load %arg3[%swap3A_244] : memref<3072xf32, #tpu.memory_space<vmem>>, vector<28xf32>
    tpu.vector_store %arg3[%swap3A_244], %squeeze3A_243 {strides = array<i32>} : memref<3072xf32, #tpu.memory_space<vmem>>, vector<28xf32>,
    %slice3A_246 = vector.extract_strided_slice %reshape3A {offsets = [60, 0], sizes = [1, 28], strides = [1, 1]} : vector<84x28xf32> to vector<1x28xf32>
    %squeeze3A_247 = vector.shape_cast %slice3A_246 : vector<1x28xf32> to vector<28xf32>
    %swap3A_248 = arith.constant 1680 : index
    %swap3A_249 = vector.load %arg3[%swap3A_248] : memref<3072xf32, #tpu.memory_space<vmem>>, vector<28xf32>
    tpu.vector_store %arg3[%swap3A_248], %squeeze3A_247 {strides = array<i32>} : memref<3072xf32, #tpu.memory_space<vmem>>, vector<28xf32>,
    %slice3A_250 = vector.extract_strided_slice %reshape3A {offsets = [61, 0], sizes = [1, 28], strides = [1, 1]} : vector<84x28xf32> to vector<1x28xf32>
    %squeeze3A_251 = vector.shape_cast %slice3A_250 : vector<1x28xf32> to vector<28xf32>
    %swap3A_252 = arith.constant 1708 : index
    %swap3A_253 = vector.load %arg3[%swap3A_252] : memref<3072xf32, #tpu.memory_space<vmem>>, vector<28xf32>
    tpu.vector_store %arg3[%swap3A_252], %squeeze3A_251 {strides = array<i32>} : memref<3072xf32, #tpu.memory_space<vmem>>, vector<28xf32>,
    %slice3A_254 = vector.extract_strided_slice %reshape3A {offsets = [62, 0], sizes = [1, 28], strides = [1, 1]} : vector<84x28xf32> to vector<1x28xf32>
    %squeeze3A_255 = vector.shape_cast %slice3A_254 : vector<1x28xf32> to vector<28xf32>
    %swap3A_256 = arith.constant 1736 : index
    %swap3A_257 = vector.load %arg3[%swap3A_256] : memref<3072xf32, #tpu.memory_space<vmem>>, vector<28xf32>
    tpu.vector_store %arg3[%swap3A_256], %squeeze3A_255 {strides = array<i32>} : memref<3072xf32, #tpu.memory_space<vmem>>, vector<28xf32>,
    %slice3A_258 = vector.extract_strided_slice %reshape3A {offsets = [63, 0], sizes = [1, 28], strides = [1, 1]} : vector<84x28xf32> to vector<1x28xf32>
    %squeeze3A_259 = vector.shape_cast %slice3A_258 : vector<1x28xf32> to vector<28xf32>
    %swap3A_260 = arith.constant 1764 : index
    %swap3A_261 = vector.load %arg3[%swap3A_260] : memref<3072xf32, #tpu.memory_space<vmem>>, vector<28xf32>
    tpu.vector_store %arg3[%swap3A_260], %squeeze3A_259 {strides = array<i32>} : memref<3072xf32, #tpu.memory_space<vmem>>, vector<28xf32>,
    %slice3A_262 = vector.extract_strided_slice %reshape3A {offsets = [64, 0], sizes = [1, 28], strides = [1, 1]} : vector<84x28xf32> to vector<1x28xf32>
    %squeeze3A_263 = vector.shape_cast %slice3A_262 : vector<1x28xf32> to vector<28xf32>
    %swap3A_264 = arith.constant 1792 : index
    %swap3A_265 = vector.load %arg3[%swap3A_264] : memref<3072xf32, #tpu.memory_space<vmem>>, vector<28xf32>
    tpu.vector_store %arg3[%swap3A_264], %squeeze3A_263 {strides = array<i32>} : memref<3072xf32, #tpu.memory_space<vmem>>, vector<28xf32>,
    %slice3A_266 = vector.extract_strided_slice %reshape3A {offsets = [65, 0], sizes = [1, 28], strides = [1, 1]} : vector<84x28xf32> to vector<1x28xf32>
    %squeeze3A_267 = vector.shape_cast %slice3A_266 : vector<1x28xf32> to vector<28xf32>
    %swap3A_268 = arith.constant 1820 : index
    %swap3A_269 = vector.load %arg3[%swap3A_268] : memref<3072xf32, #tpu.memory_space<vmem>>, vector<28xf32>
    tpu.vector_store %arg3[%swap3A_268], %squeeze3A_267 {strides = array<i32>} : memref<3072xf32, #tpu.memory_space<vmem>>, vector<28xf32>,
    %slice3A_270 = vector.extract_strided_slice %reshape3A {offsets = [66, 0], sizes = [1, 28], strides = [1, 1]} : vector<84x28xf32> to vector<1x28xf32>
    %squeeze3A_271 = vector.shape_cast %slice3A_270 : vector<1x28xf32> to vector<28xf32>
    %swap3A_272 = arith.constant 1848 : index
    %swap3A_273 = vector.load %arg3[%swap3A_272] : memref<3072xf32, #tpu.memory_space<vmem>>, vector<28xf32>
    tpu.vector_store %arg3[%swap3A_272], %squeeze3A_271 {strides = array<i32>} : memref<3072xf32, #tpu.memory_space<vmem>>, vector<28xf32>,
    %slice3A_274 = vector.extract_strided_slice %reshape3A {offsets = [67, 0], sizes = [1, 28], strides = [1, 1]} : vector<84x28xf32> to vector<1x28xf32>
    %squeeze3A_275 = vector.shape_cast %slice3A_274 : vector<1x28xf32> to vector<28xf32>
    %swap3A_276 = arith.constant 1876 : index
    %swap3A_277 = vector.load %arg3[%swap3A_276] : memref<3072xf32, #tpu.memory_space<vmem>>, vector<28xf32>
    tpu.vector_store %arg3[%swap3A_276], %squeeze3A_275 {strides = array<i32>} : memref<3072xf32, #tpu.memory_space<vmem>>, vector<28xf32>,
    %slice3A_278 = vector.extract_strided_slice %reshape3A {offsets = [68, 0], sizes = [1, 28], strides = [1, 1]} : vector<84x28xf32> to vector<1x28xf32>
    %squeeze3A_279 = vector.shape_cast %slice3A_278 : vector<1x28xf32> to vector<28xf32>
    %swap3A_280 = arith.constant 1904 : index
    %swap3A_281 = vector.load %arg3[%swap3A_280] : memref<3072xf32, #tpu.memory_space<vmem>>, vector<28xf32>
    tpu.vector_store %arg3[%swap3A_280], %squeeze3A_279 {strides = array<i32>} : memref<3072xf32, #tpu.memory_space<vmem>>, vector<28xf32>,
    %slice3A_282 = vector.extract_strided_slice %reshape3A {offsets = [69, 0], sizes = [1, 28], strides = [1, 1]} : vector<84x28xf32> to vector<1x28xf32>
    %squeeze3A_283 = vector.shape_cast %slice3A_282 : vector<1x28xf32> to vector<28xf32>
    %swap3A_284 = arith.constant 1932 : index
    %swap3A_285 = vector.load %arg3[%swap3A_284] : memref<3072xf32, #tpu.memory_space<vmem>>, vector<28xf32>
    tpu.vector_store %arg3[%swap3A_284], %squeeze3A_283 {strides = array<i32>} : memref<3072xf32, #tpu.memory_space<vmem>>, vector<28xf32>,
    %slice3A_286 = vector.extract_strided_slice %reshape3A {offsets = [70, 0], sizes = [1, 28], strides = [1, 1]} : vector<84x28xf32> to vector<1x28xf32>
    %squeeze3A_287 = vector.shape_cast %slice3A_286 : vector<1x28xf32> to vector<28xf32>
    %swap3A_288 = arith.constant 1960 : index
    %swap3A_289 = vector.load %arg3[%swap3A_288] : memref<3072xf32, #tpu.memory_space<vmem>>, vector<28xf32>
    tpu.vector_store %arg3[%swap3A_288], %squeeze3A_287 {strides = array<i32>} : memref<3072xf32, #tpu.memory_space<vmem>>, vector<28xf32>,
    %slice3A_290 = vector.extract_strided_slice %reshape3A {offsets = [71, 0], sizes = [1, 28], strides = [1, 1]} : vector<84x28xf32> to vector<1x28xf32>
    %squeeze3A_291 = vector.shape_cast %slice3A_290 : vector<1x28xf32> to vector<28xf32>
    %swap3A_292 = arith.constant 1988 : index
    %swap3A_293 = vector.load %arg3[%swap3A_292] : memref<3072xf32, #tpu.memory_space<vmem>>, vector<28xf32>
    tpu.vector_store %arg3[%swap3A_292], %squeeze3A_291 {strides = array<i32>} : memref<3072xf32, #tpu.memory_space<vmem>>, vector<28xf32>,
    %slice3A_294 = vector.extract_strided_slice %reshape3A {offsets = [72, 0], sizes = [1, 28], strides = [1, 1]} : vector<84x28xf32> to vector<1x28xf32>
    %squeeze3A_295 = vector.shape_cast %slice3A_294 : vector<1x28xf32> to vector<28xf32>
    %swap3A_296 = arith.constant 2016 : index
    %swap3A_297 = vector.load %arg3[%swap3A_296] : memref<3072xf32, #tpu.memory_space<vmem>>, vector<28xf32>
    tpu.vector_store %arg3[%swap3A_296], %squeeze3A_295 {strides = array<i32>} : memref<3072xf32, #tpu.memory_space<vmem>>, vector<28xf32>,
    %slice3A_298 = vector.extract_strided_slice %reshape3A {offsets = [73, 0], sizes = [1, 28], strides = [1, 1]} : vector<84x28xf32> to vector<1x28xf32>
    %squeeze3A_299 = vector.shape_cast %slice3A_298 : vector<1x28xf32> to vector<28xf32>
    %swap3A_300 = arith.constant 2044 : index
    %swap3A_301 = vector.load %arg3[%swap3A_300] : memref<3072xf32, #tpu.memory_space<vmem>>, vector<28xf32>
    tpu.vector_store %arg3[%swap3A_300], %squeeze3A_299 {strides = array<i32>} : memref<3072xf32, #tpu.memory_space<vmem>>, vector<28xf32>,
    %slice3A_302 = vector.extract_strided_slice %reshape3A {offsets = [74, 0], sizes = [1, 28], strides = [1, 1]} : vector<84x28xf32> to vector<1x28xf32>
    %squeeze3A_303 = vector.shape_cast %slice3A_302 : vector<1x28xf32> to vector<28xf32>
    %swap3A_304 = arith.constant 2072 : index
    %swap3A_305 = vector.load %arg3[%swap3A_304] : memref<3072xf32, #tpu.memory_space<vmem>>, vector<28xf32>
    tpu.vector_store %arg3[%swap3A_304], %squeeze3A_303 {strides = array<i32>} : memref<3072xf32, #tpu.memory_space<vmem>>, vector<28xf32>,
    %slice3A_306 = vector.extract_strided_slice %reshape3A {offsets = [75, 0], sizes = [1, 28], strides = [1, 1]} : vector<84x28xf32> to vector<1x28xf32>
    %squeeze3A_307 = vector.shape_cast %slice3A_306 : vector<1x28xf32> to vector<28xf32>
    %swap3A_308 = arith.constant 2100 : index
    %swap3A_309 = vector.load %arg3[%swap3A_308] : memref<3072xf32, #tpu.memory_space<vmem>>, vector<28xf32>
    tpu.vector_store %arg3[%swap3A_308], %squeeze3A_307 {strides = array<i32>} : memref<3072xf32, #tpu.memory_space<vmem>>, vector<28xf32>,
    %slice3A_310 = vector.extract_strided_slice %reshape3A {offsets = [76, 0], sizes = [1, 28], strides = [1, 1]} : vector<84x28xf32> to vector<1x28xf32>
    %squeeze3A_311 = vector.shape_cast %slice3A_310 : vector<1x28xf32> to vector<28xf32>
    %swap3A_312 = arith.constant 2128 : index
    %swap3A_313 = vector.load %arg3[%swap3A_312] : memref<3072xf32, #tpu.memory_space<vmem>>, vector<28xf32>
    tpu.vector_store %arg3[%swap3A_312], %squeeze3A_311 {strides = array<i32>} : memref<3072xf32, #tpu.memory_space<vmem>>, vector<28xf32>,
    %slice3A_314 = vector.extract_strided_slice %reshape3A {offsets = [77, 0], sizes = [1, 28], strides = [1, 1]} : vector<84x28xf32> to vector<1x28xf32>
    %squeeze3A_315 = vector.shape_cast %slice3A_314 : vector<1x28xf32> to vector<28xf32>
    %swap3A_316 = arith.constant 2156 : index
    %swap3A_317 = vector.load %arg3[%swap3A_316] : memref<3072xf32, #tpu.memory_space<vmem>>, vector<28xf32>
    tpu.vector_store %arg3[%swap3A_316], %squeeze3A_315 {strides = array<i32>} : memref<3072xf32, #tpu.memory_space<vmem>>, vector<28xf32>,
    %slice3A_318 = vector.extract_strided_slice %reshape3A {offsets = [78, 0], sizes = [1, 28], strides = [1, 1]} : vector<84x28xf32> to vector<1x28xf32>
    %squeeze3A_319 = vector.shape_cast %slice3A_318 : vector<1x28xf32> to vector<28xf32>
    %swap3A_320 = arith.constant 2184 : index
    %swap3A_321 = vector.load %arg3[%swap3A_320] : memref<3072xf32, #tpu.memory_space<vmem>>, vector<28xf32>
    tpu.vector_store %arg3[%swap3A_320], %squeeze3A_319 {strides = array<i32>} : memref<3072xf32, #tpu.memory_space<vmem>>, vector<28xf32>,
    %slice3A_322 = vector.extract_strided_slice %reshape3A {offsets = [79, 0], sizes = [1, 28], strides = [1, 1]} : vector<84x28xf32> to vector<1x28xf32>
    %squeeze3A_323 = vector.shape_cast %slice3A_322 : vector<1x28xf32> to vector<28xf32>
    %swap3A_324 = arith.constant 2212 : index
    %swap3A_325 = vector.load %arg3[%swap3A_324] : memref<3072xf32, #tpu.memory_space<vmem>>, vector<28xf32>
    tpu.vector_store %arg3[%swap3A_324], %squeeze3A_323 {strides = array<i32>} : memref<3072xf32, #tpu.memory_space<vmem>>, vector<28xf32>,
    %slice3A_326 = vector.extract_strided_slice %reshape3A {offsets = [80, 0], sizes = [1, 28], strides = [1, 1]} : vector<84x28xf32> to vector<1x28xf32>
    %squeeze3A_327 = vector.shape_cast %slice3A_326 : vector<1x28xf32> to vector<28xf32>
    %swap3A_328 = arith.constant 2240 : index
    %swap3A_329 = vector.load %arg3[%swap3A_328] : memref<3072xf32, #tpu.memory_space<vmem>>, vector<28xf32>
    tpu.vector_store %arg3[%swap3A_328], %squeeze3A_327 {strides = array<i32>} : memref<3072xf32, #tpu.memory_space<vmem>>, vector<28xf32>,
    %slice3A_330 = vector.extract_strided_slice %reshape3A {offsets = [81, 0], sizes = [1, 28], strides = [1, 1]} : vector<84x28xf32> to vector<1x28xf32>
    %squeeze3A_331 = vector.shape_cast %slice3A_330 : vector<1x28xf32> to vector<28xf32>
    %swap3A_332 = arith.constant 2268 : index
    %swap3A_333 = vector.load %arg3[%swap3A_332] : memref<3072xf32, #tpu.memory_space<vmem>>, vector<28xf32>
    tpu.vector_store %arg3[%swap3A_332], %squeeze3A_331 {strides = array<i32>} : memref<3072xf32, #tpu.memory_space<vmem>>, vector<28xf32>,
    %slice3A_334 = vector.extract_strided_slice %reshape3A {offsets = [82, 0], sizes = [1, 28], strides = [1, 1]} : vector<84x28xf32> to vector<1x28xf32>
    %squeeze3A_335 = vector.shape_cast %slice3A_334 : vector<1x28xf32> to vector<28xf32>
    %swap3A_336 = arith.constant 2296 : index
    %swap3A_337 = vector.load %arg3[%swap3A_336] : memref<3072xf32, #tpu.memory_space<vmem>>, vector<28xf32>
    tpu.vector_store %arg3[%swap3A_336], %squeeze3A_335 {strides = array<i32>} : memref<3072xf32, #tpu.memory_space<vmem>>, vector<28xf32>,
    %slice3A_338 = vector.extract_strided_slice %reshape3A {offsets = [83, 0], sizes = [1, 28], strides = [1, 1]} : vector<84x28xf32> to vector<1x28xf32>
    %squeeze3A_339 = vector.shape_cast %slice3A_338 : vector<1x28xf32> to vector<28xf32>
    %swap3A_340 = arith.constant 2324 : index
    %swap3A_341 = vector.load %arg3[%swap3A_340] : memref<3072xf32, #tpu.memory_space<vmem>>, vector<28xf32>
    tpu.vector_store %arg3[%swap3A_340], %squeeze3A_339 {strides = array<i32>} : memref<3072xf32, #tpu.memory_space<vmem>>, vector<28xf32>,
    return
  }
  func.func @transform_0(%arg0: i32) -> (i32, i32, i32) {
    %mul3A = arith.constant 4 : i32
    %mul3A_0 = arith.muli %mul3A, %arg0 : i32
    %c0_i32 = arith.constant 0 : i32
    %c0_i32_1 = arith.constant 0 : i32
    %c0_i32_2 = arith.constant 0 : i32
    return %mul3A_0, %c0_i32, %c0_i32_1 : i32, i32, i32
  }
  func.func @transform_1(%arg0: i32) -> (i32, i32) {
    %c0_i32 = arith.constant 0 : i32
    %c0_i32_0 = arith.constant 0 : i32
    %c0_i32_1 = arith.constant 0 : i32
    return %c0_i32, %c0_i32_0 : i32, i32
  }
  func.func @transform_2(%arg0: i32) -> i32 {
    %c0_i32 = arith.constant 0 : i32
    return %arg0 : i32
  }
}

</mosaic_0001>

<sc_bundles>
// kernel: kernel.4.cloned.1.call-start
scs
__scs_entry_jumppad:
0x0: {  	(pc) =	sbr.rel $0x88, $3  }
0x1: {  	(tag) =	ssettag $0x0;
	lr =	simm.s32 $0x1  }
0x2: {  	[smem:$0x3FA0] =	sst lr;
	_ =	strace $0xD0000000  }
0x3: {  	_ = 	snop  }
0x4: {  	_ = 	snop  }
0x5: {  	_ = 	snop  }
0x6: {  	_ = 	snop  }
0x7: {  	_ = 	snop  }
__scs_overlays_trampoline_lowered:
0x8: {  	[smem:$0x3FAF] =	sst s0  }
0x9: {  	[smem:$0x3FB0] =	sst s1  }
0xa: {  	[smem:$0x3FB1] =	sst s2  }
0xb: {  	[smem:$0x3FB2] =	sst s3  }
0xc: {  	[smem:$0x3FB3] =	sst s4  }
0xd: {  	[smem:$0x3FB4] =	sst s5  }
0xe: {  	[smem:$0x3FB5] =	sst s6  }
0xf: {  	[smem:$0x3FB6] =	sst s7  }
0x10: {  	[smem:$0x3FB7] =	sst s8  }
0x11: {  	[smem:$0x3FB8] =	sst s9;
	s0 =	simm.s32 @!p0 $0x0  }
0x12: {  	s1 =	sld [smem:$0x3F9E];
	s0 =	simm.s32 @p0 $0x1  }
0x13: {  	[smem:$0x3FB9] =	sst s0;
	s0 =	simm.s32 @!p1 $0x0  }
0x14: {  	s2 =	sld [smem:$0x3F9D];
	s0 =	simm.s32 @p1 $0x1  }
0x15: {  	[smem:$0x3FBA] =	sst s0;
	s0 =	simm.s32 @!p2 $0x0  }
0x16: {  	s3 =	sld [smem:$0x3FDB];
	s0 =	simm.s32 @p2 $0x1  }
0x17: {  	s4 =	simm.s32 $0x1BF5;
	[smem:$0x3FBC] =	sst s0  }
0x18: {  	s0 =	sld [smem:$0x3F9F];
	_ =	swait.ge [sflag:s4], $0x0  }
0x19: {  	s7 =	sld [smem:$0x3FA0]  }
0x1a: {  	s8 =	sadd.s32 $0xFFFFE003, lr  }
0x1b: {  	s9 =	sadd.s32 $0xFFFFFEF7, lr;
	s5 =	simm.s32 $0xFFFFFFFF;
	p2 =	slt.u32 s8, $0xFFFFF086  }
0x1c: {  	p1 =	slt.u32 s9, $0xF7A;
	s5 =	simm.s32 @!p2 $0x0  }
0x1d: {  	s5 =	simm.s32 @p1 $0x1;
	p0 =	seq.s32 s7, s2  }
0x1e: {  	s7 =	smul.u32 @!p0 $0xF7A, s2;
	p2 =	seq.s32 @!p0 s5, $0x0  }
0x1f: {  	s9 =	smul.u32 $0xF7A, s1;
	s8 =	simm.s32 @!p0 $0x1BF5;
	p2 =	por !p2, p0  }
0x20: {  	[sflag:s8] =	ssyncset.s32 @!p0 $0xFFFFF086;
	s6 =	sadd.s32 @!p0 s3, s7;
	s7 =	simm.s32 @!p0 $0x108  }
0x21: {  	s3 =	sadd.s32 s3, s9;
	s6 =	sadd.s32 @!p0 $0x88, s6;
	s7 =	simm.s32 @p2 $0x1082  }
0x22: {  	[simem:s7], [sflag:s8] =	dma.local @!p0 [hbm:s6], $0xF7A  }
0x23: {  	s9 =	sor.u32 $0xD0000000, s2;
	s6 =	simm.s32 $0x108;
	_ =	swait.ge @!p0 [sflag:s8], $0x0  }
0x24: {  	s3 =	sadd.s32 $0x88, s3;
	s6 =	simm.s32 @!p1 $0x1082;
	[sflag:s4] =	ssyncset.s32 $0xFFFFF086  }
0x25: {  	[simem:s6], [sflag:s4] =	dma.local [hbm:s3], $0xF7A  }
0x26: {  	[smem:$0x3FA0] =	sst s1;
	(tag) =	ssettag s2;
	_ =	strace s9  }
0x27: {  	s1 =	sld [smem:$0x3FB0]  }
0x28: {  	s2 =	sld [smem:$0x3FB1]  }
0x29: {  	s4 =	sld [smem:$0x3FB3]  }
0x2a: {  	p0 =	seq.s32 s5, $0x0;
	s5 =	sld [smem:$0x3FB4]  }
0x2b: {  	s6 =	sld [smem:$0x3FB5]  }
0x2c: {  	s7 =	sld [smem:$0x3FB6]  }
0x2d: {  	s3 =	simm.s32 $0x108;
	s8 =	sld [smem:$0x3FB7]  }
0x2e: {  	s3 =	simm.s32 @!p0 $0x1082;
	s9 =	sld [smem:$0x3FB8]  }
0x2f: {  	lr =	sadd.s32 s0, s3;
	s0 =	sld [smem:$0x3FAF]  }
0x30: {  	s3 =	sld [smem:$0x3FB2]  }
0x31: {  	[smem:$0x3FBB] =	sst s10  }
0x32: {  	s10 =	sld [smem:$0x3FB9];
	_ =	sdelay $0x3  }
0x33: {  	p0 =	seq.s32 s10, $0x1;
	s10 =	sld [smem:$0x3FBB];
	_ =	sdelay $0x3  }
0x34: {  	[smem:$0x3FBB] =	sst s10  }
0x35: {  	s10 =	sld [smem:$0x3FBA];
	_ =	sdelay $0x3  }
0x36: {  	p1 =	seq.s32 s10, $0x1;
	s10 =	sld [smem:$0x3FBB];
	_ =	sdelay $0x3  }
0x37: {  	[smem:$0x3FBB] =	sst s10  }
0x38: {  	s10 =	sld [smem:$0x3FBC]  }
0x39: {  	_ = 	snop;
	(pc) =	sbr.ind lr, $3  }
0x3a: {  	_ = 	snop  }
0x3b: {  	_ = 	snop  }
0x3c: {  	p2 =	seq.s32 s10, $0x1;
	s10 =	sld [smem:$0x3FBB]  }
0x3d: {  	_ =	shalt  }
0x3e: {  	_ =	shalt  }
0x3f: {  	_ =	shalt  }
0x40: {  	_ =	shalt  }
0x41: {  	_ =	shalt  }
0x42: {  	_ =	shalt  }
0x43: {  	_ =	shalt  }
0x44: {  	_ =	shalt  }
0x45: {  	_ =	shalt  }
0x46: {  	_ =	shalt  }
0x47: {  	_ =	shalt  }
0x48: {  	_ =	shalt  }
0x49: {  	_ =	shalt  }
0x4a: {  	_ =	shalt  }
0x4b: {  	_ =	shalt  }
0x4c: {  	_ =	shalt  }
0x4d: {  	_ =	shalt  }
0x4e: {  	_ =	shalt  }
0x4f: {  	_ =	shalt  }
0x50: {  	_ =	shalt  }
0x51: {  	_ =	shalt  }
0x52: {  	_ =	shalt  }
0x53: {  	_ =	shalt  }
0x54: {  	_ =	shalt  }
0x55: {  	_ =	shalt  }
0x56: {  	_ =	shalt  }
0x57: {  	_ =	shalt  }
0x58: {  	_ =	shalt  }
0x59: {  	_ =	shalt  }
0x5a: {  	_ =	shalt  }
0x5b: {  	_ =	shalt  }
0x5c: {  	_ =	shalt  }
0x5d: {  	_ =	shalt  }
0x5e: {  	_ =	shalt  }
0x5f: {  	_ =	shalt  }
0x60: {  	_ =	shalt  }
0x61: {  	_ =	shalt  }
0x62: {  	_ =	shalt  }
0x63: {  	_ =	shalt  }
0x64: {  	_ =	shalt  }
0x65: {  	_ =	shalt  }
0x66: {  	_ =	shalt  }
0x67: {  	_ =	shalt  }
0x68: {  	_ =	shalt  }
0x69: {  	_ =	shalt  }
0x6a: {  	_ =	shalt  }
0x6b: {  	_ =	shalt  }
0x6c: {  	_ =	shalt  }
0x6d: {  	_ =	shalt  }
0x6e: {  	_ =	shalt  }
0x6f: {  	_ =	shalt  }
0x70: {  	_ =	shalt  }
0x71: {  	_ =	shalt  }
0x72: {  	_ =	shalt  }
0x73: {  	_ =	shalt  }
0x74: {  	_ =	shalt  }
0x75: {  	_ =	shalt  }
0x76: {  	_ =	shalt  }
0x77: {  	_ =	shalt  }
0x78: {  	_ =	shalt  }
0x79: {  	_ =	shalt  }
0x7a: {  	_ =	shalt  }
0x7b: {  	_ =	shalt  }
0x7c: {  	_ =	shalt  }
0x7d: {  	_ =	shalt  }
0x7e: {  	_ =	shalt  }
0x7f: {  	_ =	shalt  }
0x80: {  	_ =	shalt  }
0x81: {  	_ =	shalt  }
0x82: {  	_ =	shalt  }
0x83: {  	_ =	shalt  }
0x84: {  	_ =	shalt  }
0x85: {  	_ =	shalt  }
0x86: {  	_ =	shalt  }
0x87: {  	_ =	shalt  }
.Lfunc_end0:
.L_simem_size_0:
called_computation_lowered:
.L_overlay_start_0:
0x88: {  	s2 =	sld [smem:$0x3FD9]  }
0x89: {  	s3 =	sld [smem:$0x3FFE];
	_ =	sdelay $0x1  }
0x8a: {  	s1 =	srdreg.scid  }
0x8b: {  	s0 =	sand.u32 $0x1, s1  }
0x8c: {  	s16 =	sshll.u32 s0, $0xA;
	s2 =	sadd.s32 s3, s2  }
0x8d: {  	s2 =	sadd.s32 s2, s16  }
0x8e: {  	[smem:$0x3FC7] =	sst s2  }
0x8f: {  	_ = 	snop  }
0x90: {  	(tm) =	ssettm $0x1  }
0x91: {  	s17 =	sld [smem:$0x3FFB];
	_ =	sdelay $0x3  }
0x92: {  	_ =	strace s17  }
0x93: {  	s2 =	sld [smem:$0x3FFC];
	_ =	sdelay $0x3  }
0x94: {  	_ =	strace s2  }
0x95: {  	s2 =	sld [smem:$0x3FFD];
	_ =	sdelay $0x3  }
0x96: {  	_ =	strace s2  }
0x97: {  	_ =	strace $0x8FFFFFFF  }
0x98: {  	s18 =	sld [smem:$0x3FDB];
	_ =	sdelay $0x1  }
0x99: {  	s19 =	simm.s32 $_scs_section_size  }
0x9a: {  	s4 =	simm.s32 $_size__tile_overlayer_lowered;
	s5 =	simm.s32 $_tile_overlayer_lowered  }
0x9b: {  	s22 =	simm.s32 $0x1BFF;
	s21 =	sshll.u32 s5, $0x1;
	s2 =	sadd.s32 s19, s18  }
0x9c: {  	s6 =	simm.s32 $0x0;
	s20 =	sshll.u32 s4, $0x1;
	s4 =	sadd.s32 s21, s2  }
0x9d: {  	[timem:s6], [sflag:s22] =	dma.local [hbm:s4], s20  }
0x9e: {  	_ =	swait.ge [sflag:s22], s20  }
0x9f: {  	s3 =	ssub.s32 $0x0, s20;
	[sflag:s22] =	ssyncset.done $0x0  }
0xa0: {  	[sflag:s22] =	ssyncadd.s32 s3;
	_ =	sdelay $0x1  }
0xa1: {  	s23 =	simm.s32 $0x1B8B  }
0xa2: {  	_ =	swait.ge [sflag:s23], $0x1  }
0xa3: {  	[sflag:s23] =	ssyncset.done $0x0  }
0xa4: {  	s25 =	simm.s32 $0x1B8E;
	s24 =	sld [smem:$0x3FFE];
	[sflag:s23] =	ssyncadd.s32 $0xFFFFFFFF  }
0xa5: {  	s26 =	simm.s32 $execute0_lowered;
	[smem:$0x3FD2] =	sst s25  }
0xa6: {  	s4 =	sshll.u32 s26, $0x1;
	_ =	strace $0x80000046;
	[dreg:$0x1] =	wrdreg $0xFFFFFFFF  }
0xa7: {  	s28 =	simm.s32 $_size_execute0_lowered;
	s2 =	sadd.s32 s2, s4;
	[dreg:$0x0] =	wrdreg $0x0  }
0xa8: {  	s4 =	sshll.u32 s28, $0x1;
	[dreg:$0x2] =	wrdreg s2  }
0xa9: {  	[dreg:$0x3] =	wrdreg s4  }
0xaa: {  	[dreg:$0x4] =	wrdreg $0xC0  }
0xab: {  	_ =	task [dreg:s6], $0x5FFFF  }
0xac: {  	[dreg:$0x1] =	wrdreg $0xFFFFFFFF  }
0xad: {  	[dreg:$0x0] =	wrdreg $0x60  }
0xae: {  	[dreg:$0x2] =	wrdreg s24  }
0xaf: {  	[dreg:$0x3] =	wrdreg $0x9  }
0xb0: {  	_ =	task.clear_ibuf [dreg:s6], $0x4FFFF;
	_ =	strace $0x90000046  }
0xb1: {  	s29 =	simm.s32 $0x9;
	_ =	strace $0x80000048  }
0xb2: {  	_ =	swait.ge [sflag:s29], $0x1  }
0xb3: {  	[sflag:s29] =	ssyncadd.s32 $0xFFFFFFFF  }
0xb4: {  	_ =	strace $0x90000048  }
0xb5: {  	_ =	sfence  }
0xb6: {  	s30 =	sld [smem:$0x0];
	_ =	sdelay $0x2  }
0xb7: {  	s31 =	sshll.u32 s1, $0xD;
	s1 =	sshrl.u32 s1, $0x2  }
0xb8: {  	s3 =	sand.u32 $0x4000, s31;
	s1 =	sadd.s32 s1, s30  }
0xb9: {  	s0 =	sor.u32 s3, s0;
	s1 =	sshll.u32 s1, $0x11  }
0xba: {  	s0 =	sor.u32 s1, s0  }
0xbb: {  	s0 =	sadd.s32 $0x8F2B, s0  }
0xbc: {  	[sflag:s0] =	ssyncadd.remote.s32 $0x1  }
0xbd: {  	_ =	sfence.sel $0xFFFF  }
0xbe: {  	[dreg:$0x0] =	wrdreg $0xFFFFFFFF;
	(pc) =	sbr.abs _section_cstart, $3  }
0xbf: {  	[dreg:$0x1] =	wrdreg $0xFFFFFFFF  }
0xc0: {  	_ =	task.clear_ibuf [dreg:s6], $0x2FFFF;
	_ =	strace $0x9FFFFFFF  }
0xc1: {  	(tm) =	ssettm $0x7FFFFFFF  }
tec
execute0_lowered:
.L_overlay_start_1:
0x0: {  	(tag) =	ssettag $0x1  }
0x1: {  	s2 =	rddreg [dreg:$0x0];
	s3 =	simm.s32 $0x0  }
0x2: {  	[smem:$0x7FF] =	sst s3  }
0x3: {  	s0 =	rddreg [dreg:$0x1];
	v0 =	vimm.f32 $9.000000000e+00;
	_ =	strace $0x80000047  }
0x4: {  	(erf) = vrcp.f32 v0;
	_ =	sdelay $0x1  }
0x5: {  	s1 =	srdreg.scid  }
0x6: {  	s1 =	sand.u32 $0x1, s1  }
0x7: {  	p0 =	seq.s32 s1, $0x1  }
.Ltmp0:
0x8: {  	_ = 	snop;
	(pc) =	sbr.rel @p0 .LBB2_6-.Ltmp0, $2  }
0x9: {  	_ =	sdelay $0x2  }
0xa: {  	s1 =	stileid.u32;
	v0 =	vpop (erf)  }
0xb: {  	s4 =	smul.u32 $0x180, s1  }
0xc: {  	s5 =	sadd.s32 $0x400, s2  }
0xd: {  	s28 =	simm.s32 $0x1;
	s4 =	sadd.s32 s5, s4  }
0xe: {  	[tilespmem:s3], [sflag:$0x1] =	stream.linear.gather [hbm4b:s4+s3], $0x930, $0x38;
	[tilespmem:$0xC00] =	vst v63  }
0xf: {  	_ =	swait.ge [sflag:s28], $0x930  }
0x10: {  	[sflag:s28] =	ssyncset.done $0x0  }
0x11: {  	[sflag:s28] =	ssyncadd.s32 $0xFFFFF6D0  }
0x12: {  	v2 =	vld [tilespmem:$0x0];
	_ =	sdelay $0x2  }
0x13: {  	s29 =	sshll.u32 s1, $0x1  }
0x14: {  	s31 =	simm.s32 $0x10;
	s30 =	sadd.s32 s29, s2  }
0x15: {  	s2 =	sadd.s32 $0x1C00, s30;
	s3 =	simm.s32 $0x80;
	v3 =	vld [tilespmem:s31+$0x0];
	v1 =	vmov v2  }
.LBB2_2:
0x16: {  	p0 =	sne.s32 s3, $0x2480  }
.Ltmp1:
0x17: {  	_ = 	snop;
	(pc) =	sbr.rel @p0 .LBB2_2-.Ltmp1, $3  }
0x18: {  	_ =	sdelay $0x1  }
0x19: {  	s4 =	sshra.s32 s3, $0x2;
	s3 =	sadd.s32 $0x40, s3;
	v2 =	vmin.f32 v2, v3;
	v1 =	vmax.f32 v1, v3  }
0x1a: {  	v3 =	vld [tilespmem:s4+$0x0]  }
0x1b: {  	v4 =	vimm.s32 $0xEFCDAB89;
	v5 =	vimm.s32 $0x67452301  }
0x1c: {  	v4 =	vunpack.c.l.s4.s8 v4;
	v5 =	vunpack.c.l.s4.s8 v5;
	_ =	sdelay $0x1  }
0x1d: {  	v8 =	vimm.f32 $0.0e+00;
	v4 =	vunpack.c.0.s8.s32 v4;
	v5 =	vunpack.c.0.s8.s32 v5  }
0x1e: {  	v6 =	vimm.s32 $0xDCFE98BA;
	v7 =	vimm.s32 $0x54761032;
	[tilespmem:$0x980] =	vst v8  }
0x1f: {  	[tilespmem:$0x990] =	vst v8;
	v4 =	vcombine.low v5, v4;
	v5 =	vunpack.c.l.s4.s8 v6;
	v6 =	vunpack.c.l.s4.s8 v7  }
0x20: {  	[tilespmem:$0x9A0] =	vst v8;
	v2 =	vmin.f32 v2, v3;
	v1 =	vmax.f32 v1, v3  }
0x21: {  	[tilespmem:$0x9B0] =	vst v8;
	v4 =	vand.u32 $0xF, v4;
	v5 =	vunpack.c.0.s8.s32 v5;
	v6 =	vunpack.c.0.s8.s32 v6  }
0x22: {  	[tilespmem:$0x9C0] =	vst v8;
	v7 =	vperm.xlane v2, v4;
	v4 =	vperm.xlane v1, v4  }
0x23: {  	[tilespmem:$0x9D0] =	vst v8;
	v3 =	vcombine.low v6, v5;
	v5 =	vimm.s32 $0xBA98FEDC;
	v6 =	vimm.s32 $0x32107654  }
0x24: {  	v9 =	vimm.s32 $0xFEDCBA98;
	[tilespmem:$0x9E0] =	vst v8;
	v5 =	vunpack.c.l.s4.s8 v5;
	v6 =	vunpack.c.l.s4.s8 v6  }
0x25: {  	[tilespmem:$0x9F0] =	vst v8;
	v2 =	vmin.f32 v2, v7;
	v1 =	vmax.f32 v1, v4;
	v4 =	vimm.s32 $0x76543210  }
0x26: {  	[tilespmem:$0xA00] =	vst v8;
	v3 =	vand.u32 $0xF, v3;
	v5 =	vunpack.c.0.s8.s32 v5;
	v6 =	vunpack.c.0.s8.s32 v6  }
0x27: {  	v9 =	vunpack.c.l.s4.s8 v9;
	[tilespmem:$0xA10] =	vst v8;
	v4 =	vunpack.c.l.s4.s8 v4;
	v7 =	vperm.xlane v2, v3  }
0x28: {  	[tilespmem:$0xA20] =	vst v8;
	v3 =	vperm.xlane v1, v3;
	v5 =	vcombine.low v6, v5  }
0x29: {  	[tilespmem:$0xA30] =	vst v8;
	v4 =	vunpack.c.0.s8.s32 v4;
	v6 =	vunpack.c.0.s8.s32 v9  }
0x2a: {  	[tilespmem:$0xA40] =	vst v8;
	v2 =	vmin.f32 v2, v7;
	v1 =	vmax.f32 v1, v3;
	v5 =	vand.u32 $0xF, v5  }
0x2b: {  	[tilespmem:$0xA50] =	vst v8;
	v6 =	vand.u32 $0xF, v6;
	v3 =	vperm.xlane v2, v5;
	v5 =	vperm.xlane v1, v5  }
0x2c: {  	[tilespmem:$0xA60] =	vst v8;
	v4 =	vcombine.low v6, v4  }
0x2d: {  	[tilespmem:$0xA70] =	vst v8;
	v2 =	vmin.f32 v2, v3;
	v3 =	vmax.f32 v1, v5  }
0x2e: {  	[tilespmem:$0xA80] =	vst v8;
	v1 =	vperm.xlane v2, v4;
	v4 =	vperm.xlane v3, v4  }
0x2f: {  	[tilespmem:$0xA90] =	vst v8  }
0x30: {  	[tilespmem:$0xAA0] =	vst v8;
	v1 =	vmin.f32 v2, v1;
	v2 =	vmax.f32 v3, v4  }
0x31: {  	[tilespmem:$0xAB0] =	vst v8;
	v2 =	vsub.f32 v2, v1  }
0x32: {  	[tilespmem:$0xAC0] =	vst v8  }
0x33: {  	[tilespmem:$0xAD0] =	vst v8;
	(erf) = vrcp.f32 v2  }
0x34: {  	[tilespmem:$0xAE0] =	vst v8  }
0x35: {  	[tilespmem:$0xAF0] =	vst v8  }
0x36: {  	[tilespmem:$0xB00] =	vst v8  }
0x37: {  	[tilespmem:$0xB10] =	vst v8  }
0x38: {  	[tilespmem:$0xB20] =	vst v8  }
0x39: {  	[tilespmem:$0xB30] =	vst v8  }
0x3a: {  	[tilespmem:$0xB40] =	vst v8  }
0x3b: {  	[tilespmem:$0xB50] =	vst v8  }
0x3c: {  	[tilespmem:$0xB60] =	vst v8;
	v3 =	vlaneseq.u32;
	v2 =	vpop (erf)  }
0x3d: {  	s3 =	simm.s32 $0x980;
	s5 =	simm.s32 $0x0;
	s4 =	simm.s32 $0x40;
	[tilespmem:$0xB70] =	vst v8;
	v4 =	vmul.f32 $3.000000000e+01, v2;
	v2 =	vmul.u32 $0x20, v3;
	v3 =	vimm.f32 $1.000000000e+00  }
.LBB2_4:
0x3e: {  	p0 =	sne.s32 s4, $0x2480;
	v5 =	vld [tilespmem:s5+$0x0];
	_ =	sdelay $0x4  }
0x3f: {  	v5 =	vsub.f32 v5, v1;
	_ =	sdelay $0x1  }
0x40: {  	v5 =	vmul.f32 v5, v4;
	_ =	sdelay $0x1  }
0x41: {  	v5 =	vtrunc.f32 v5  }
0x42: {  	v5 =	vcvt.f32.s32 v5;
	_ =	sdelay $0x1  }
0x43: {  	vm0 =	vgt.s32 v5, $0x0  }
0x44: {  	v5 =	vnsel vm0, $0x0, v5  }
0x45: {  	v5 =	vmin.u32 v5, $0x1D  }
0x46: {  	v5 =	vor.u32 v2, v5  }
.Ltmp2:
0x47: {  	(pc) =	sbr.rel @p0 .LBB2_4-.Ltmp2, $2  }
0x48: {  	_ =	sdelay $0x2  }
0x49: {  	s5 =	sshra.s32 s4, $0x2;
	s4 =	sadd.s32 $0x40, s4;
	[tilespmem:v5+s3+$0x0] =	vst.idx.add.f32.msk $0xffff, v3  }
0x4a: {  	v5 =	vld [tilespmem:s5+$0x0];
	_ =	sdelay $0x4  }
0x4b: {  	v1 =	vsub.f32 v5, v1;
	_ =	sdelay $0x1  }
0x4c: {  	v1 =	vmul.f32 v1, v4;
	_ =	sdelay $0x1  }
0x4d: {  	v1 =	vtrunc.f32 v1  }
0x4e: {  	v1 =	vcvt.f32.s32 v1;
	_ =	sdelay $0x1  }
0x4f: {  	vm0 =	vgt.s32 v1, $0x0  }
0x50: {  	v1 =	vnsel vm0, $0x0, v1  }
0x51: {  	v1 =	vmin.u32 v1, $0x1D  }
0x52: {  	v1 =	vor.u32 v2, v1;
	_ =	sdelay $0x4  }
0x53: {  	[tilespmem:v1+s3+$0x0] =	vst.idx.add.f32.msk $0xffff, v3  }
0x54: {  	v1 =	vld [tilespmem:$0x980]  }
0x55: {  	v62 =	vld [tilespmem:$0x990]  }
0x56: {  	v3 =	vld [tilespmem:$0x9A0]  }
0x57: {  	v63 =	vld [tilespmem:$0x9B0]  }
0x58: {  	v9 =	vld [tilespmem:$0x9C0]  }
0x59: {  	v6 =	vld [tilespmem:$0x9D0]  }
0x5a: {  	v7 =	vld [tilespmem:$0x9E0]  }
0x5b: {  	v10 =	vld [tilespmem:$0x9F0]  }
0x5c: {  	v11 =	vld [tilespmem:$0xA00];
	v1 =	vadd.f32 v3, v1;
	v2 =	vadd.f32 v63, v62  }
0x5d: {  	v12 =	vld [tilespmem:$0xA10]  }
0x5e: {  	v13 =	vld [tilespmem:$0xA20];
	v1 =	vadd.f32 v9, v1;
	v2 =	vadd.f32 v6, v2  }
0x5f: {  	v14 =	vld [tilespmem:$0xA30]  }
0x60: {  	v15 =	vld [tilespmem:$0xA40];
	v1 =	vadd.f32 v7, v1;
	v2 =	vadd.f32 v10, v2  }
0x61: {  	v16 =	vld [tilespmem:$0xA50]  }
0x62: {  	v17 =	vld [tilespmem:$0xA60];
	v1 =	vadd.f32 v11, v1;
	v2 =	vadd.f32 v12, v2  }
0x63: {  	v18 =	vld [tilespmem:$0xA70]  }
0x64: {  	v19 =	vld [tilespmem:$0xA80];
	v1 =	vadd.f32 v13, v1;
	v2 =	vadd.f32 v14, v2  }
0x65: {  	v20 =	vld [tilespmem:$0xA90]  }
0x66: {  	v21 =	vld [tilespmem:$0xAA0];
	v1 =	vadd.f32 v15, v1;
	v2 =	vadd.f32 v16, v2  }
0x67: {  	v22 =	vld [tilespmem:$0xAB0]  }
0x68: {  	v23 =	vld [tilespmem:$0xAC0];
	v1 =	vadd.f32 v17, v1;
	v2 =	vadd.f32 v18, v2  }
0x69: {  	v24 =	vld [tilespmem:$0xAD0]  }
0x6a: {  	v25 =	vld [tilespmem:$0xAE0];
	v1 =	vadd.f32 v19, v1;
	v2 =	vadd.f32 v20, v2  }
0x6b: {  	v26 =	vld [tilespmem:$0xAF0]  }
0x6c: {  	v27 =	vld [tilespmem:$0xB00];
	v1 =	vadd.f32 v21, v1;
	v2 =	vadd.f32 v22, v2  }
0x6d: {  	v28 =	vld [tilespmem:$0xB10]  }
0x6e: {  	v29 =	vld [tilespmem:$0xB20];
	v1 =	vadd.f32 v23, v1;
	v2 =	vadd.f32 v24, v2  }
0x6f: {  	v30 =	vld [tilespmem:$0xB30]  }
0x70: {  	v31 =	vld [tilespmem:$0xB40];
	v1 =	vadd.f32 v25, v1;
	v2 =	vadd.f32 v26, v2  }
0x71: {  	v32 =	vld [tilespmem:$0xB50]  }
0x72: {  	v8 =	vimm.s32 $0xEFCDAB89;
	v33 =	vld [tilespmem:$0xB60];
	v1 =	vadd.f32 v27, v1;
	v2 =	vadd.f32 v28, v2  }
0x73: {  	v38 =	vimm.s32 $0xDCFE98BA;
	v35 =	vunpack.c.l.s4.s8 v8;
	v34 =	vld [tilespmem:$0xB70];
	v9 =	vimm.s32 $0x67452301  }
0x74: {  	v36 =	vunpack.c.l.s4.s8 v9;
	v1 =	vadd.f32 v29, v1;
	v2 =	vadd.f32 v30, v2  }
0x75: {  	v39 =	vimm.s32 $0x54761032;
	v41 =	vimm.s32 $0xBA98FEDC;
	v3 =	vunpack.c.0.s8.s32 v35  }
0x76: {  	v37 =	vunpack.c.0.s8.s32 v36;
	v1 =	vadd.f32 v31, v1;
	v2 =	vadd.f32 v32, v2  }
0x77: {  	v42 =	vimm.s32 $0x32107654;
	v5 =	vunpack.c.l.s4.s8 v39;
	v4 =	vunpack.c.l.s4.s8 v38  }
0x78: {  	v3 =	vcombine.low v37, v3;
	v1 =	vadd.f32 v33, v1;
	v2 =	vadd.f32 v34, v2  }
0x79: {  	v8 =	vunpack.c.l.s4.s8 v41;
	v5 =	vunpack.c.0.s8.s32 v5;
	v4 =	vunpack.c.0.s8.s32 v4  }
0x7a: {  	v9 =	vunpack.c.l.s4.s8 v42;
	v3 =	vand.u32 $0xF, v3;
	v6 =	vmax.f32 v1, v2  }
0x7b: {  	v45 =	vimm.s32 $0xFEDCBA98;
	v4 =	vcombine.low v5, v4;
	v40 =	vperm.xlane v6, v3  }
0x7c: {  	v46 =	vimm.s32 $0x76543210;
	v43 =	vunpack.c.0.s8.s32 v8;
	v44 =	vunpack.c.0.s8.s32 v9  }
0x7d: {  	v8 =	vunpack.c.l.s4.s8 v45;
	v4 =	vand.u32 $0xF, v4;
	v6 =	vmax.f32 v6, v40  }
0x7e: {  	v47 =	vunpack.c.l.s4.s8 v46;
	v5 =	vcombine.low v44, v43;
	v10 =	vperm.xlane v6, v4  }
0x7f: {  	v8 =	vunpack.c.0.s8.s32 v8  }
0x80: {  	v7 =	vunpack.c.0.s8.s32 v47;
	v5 =	vand.u32 $0xF, v5;
	v6 =	vmax.f32 v6, v10  }
0x81: {  	v8 =	vand.u32 $0xF, v8;
	v48 =	vperm.xlane v6, v5  }
0x82: {  	v7 =	vcombine.low v8, v7  }
0x83: {  	v6 =	vmax.f32 v6, v48  }
0x84: {  	v8 =	vperm.xlane v6, v7;
	_ =	sdelay $0x1  }
0x85: {  	v6 =	vmax.f32 v6, v8  }
0x86: {  	v6 =	vadd.f32 $9.999999740e-05, v6;
	_ =	sdelay $0x1  }
0x87: {  	(erf) = vrcp.f32 v6;
	_ =	sdelay $0x8  }
0x88: {  	v6 =	vpop (erf)  }
0x89: {  	v49 =	vmul.f32 v6, v1  }
0x8a: {  	v6 =	vmul.f32 v6, v2  }
0x8b: {  	v50 =	vand.u32 $0x7FFFFF, v49  }
0x8c: {  	v51 =	vand.u32 $0x7FFFFF, v6;
	v9 =	vor.u32 $0x3F800000, v50  }
0x8d: {  	v10 =	vor.u32 $0x3F800000, v51;
	v11 =	vadd.f32 $1.000000000e+00, v9  }
0x8e: {  	v12 =	vadd.f32 $1.000000000e+00, v10  }
0x8f: {  	(erf) = vrcp.f32 v11  }
0x90: {  	(erf) = vrcp.f32 v12;
	_ =	sdelay $0x7  }
0x91: {  	v9 =	vadd.f32 $-1.000000000e+00, v9;
	v10 =	vadd.f32 $-1.000000000e+00, v10;
	v11 =	vpop (erf)  }
0x92: {  	v52 =	vpop (erf)  }
0x93: {  	v9 =	vmul.f32 v11, v9;
	v10 =	vmul.f32 v52, v10;
	_ =	sdelay $0x1  }
0x94: {  	v53 =	vmul.f32 v9, v9;
	v54 =	vmul.f32 v10, v10;
	_ =	sdelay $0x1  }
0x95: {  	v13 =	vmul.f32 v53, v0;
	v55 =	vmul.f32 v54, v0;
	_ =	sdelay $0x1  }
0x96: {  	v13 =	vadd.f32 $1.428571490e-01, v13;
	v0 =	vadd.f32 $1.428571490e-01, v55;
	_ =	sdelay $0x1  }
0x97: {  	v13 =	vmul.f32 v13, v53;
	v0 =	vmul.f32 v0, v54;
	_ =	sdelay $0x1  }
0x98: {  	v13 =	vadd.f32 $2.000000030e-01, v13;
	v0 =	vadd.f32 $2.000000030e-01, v0;
	_ =	sdelay $0x1  }
0x99: {  	v13 =	vmul.f32 v13, v53;
	v0 =	vmul.f32 v0, v54;
	_ =	sdelay $0x1  }
0x9a: {  	v13 =	vadd.f32 $3.333333430e-01, v13;
	v0 =	vadd.f32 $3.333333430e-01, v0  }
0x9b: {  	v56 =	vshrl.u32 v49, $0x17  }
0x9c: {  	v58 =	vshrl.u32 v6, $0x17;
	v11 =	vmul.f32 v13, v53;
	v0 =	vmul.f32 v0, v54  }
0x9d: {  	v57 =	vand.u32 $0xFF, v56;
	v9 =	vadd.f32 v9, v9;
	v10 =	vadd.f32 v10, v10  }
0x9e: {  	v60 =	vand.u32 $0xFF, v58;
	v11 =	vadd.f32 $1.000000000e+00, v11;
	v0 =	vadd.f32 $1.000000000e+00, v0  }
0x9f: {  	v59 =	vcvt.s32.f32 v57;
	v61 =	vcvt.s32.f32 v60  }
0xa0: {  	v9 =	vmul.f32 v11, v9;
	v0 =	vmul.f32 v0, v10  }
0xa1: {  	v11 =	vadd.f32 $-1.270000000e+02, v59  }
0xa2: {  	v10 =	vadd.f32 $-1.270000000e+02, v61;
	v9 =	vmul.f32 $1.442695020e+00, v9;
	v0 =	vmul.f32 $1.442695020e+00, v0;
	_ =	sdelay $0x1  }
0xa3: {  	v9 =	vadd.f32 v9, v11;
	v0 =	vadd.f32 v0, v10;
	_ =	sdelay $0x1  }
0xa4: {  	v8 =	vmul.f32 v9, v49;
	v0 =	vmul.f32 v0, v6;
	_ =	sdelay $0x1  }
0xa5: {  	v0 =	vadd.f32 v0, v8;
	_ =	sdelay $0x1  }
0xa6: {  	v3 =	vperm.xlane v0, v3;
	_ =	sdelay $0x1  }
0xa7: {  	v0 =	vadd.f32 v0, v3;
	_ =	sdelay $0x1  }
0xa8: {  	v3 =	vperm.xlane v0, v4;
	_ =	sdelay $0x1  }
0xa9: {  	v0 =	vadd.f32 v0, v3;
	_ =	sdelay $0x1  }
0xaa: {  	v3 =	vperm.xlane v0, v5;
	_ =	sdelay $0x1  }
0xab: {  	v0 =	vadd.f32 v0, v3;
	_ =	sdelay $0x1  }
0xac: {  	vm1 =	vmmov $0x3fff;
	vm13 =	veq.f32 v2, $0.0e+00;
	v62 =	vperm.xlane v0, v7  }
0xad: {  	vm14 =	veq.f32 v1, $0.0e+00;
	vm0 =	vmand vm13, vm1  }
0xae: {  	v63 =	vmpcnt.ones.xlane vm0;
	v1 =	vmpcnt.ones.xlane vm14;
	v0 =	vadd.f32 v0, v62;
	_ =	sdelay $0x1  }
0xaf: {  	v1 =	vadd.s32 v1, v63;
	v0 =	vsub.f32 $0.0e+00, v0  }
0xb0: {  	vm15 =	vgt.s32 v1, $0x0  }
0xb1: {  	v0 =	vsel vm15, $0x3F800000, v0  }
0xb2: {  	s30 =	simm.s32 $0x0;
	s4 =	simm.s32 $0xB80;
	s31 =	simm.s32 $0x1;
	[tilespmem:$0xB80] =	vst v0  }
0xb3: {  	[hbm4b:s2+s30] =	stream.linear.scatter [tilespmem:s4], [sflag:$0x1], $0x10, $0x38;
	[tilespmem:$0xC00] =	vst v63  }
0xb4: {  	_ =	swait.ge [sflag:s31], $0x10  }
0xb5: {  	[sflag:s31] =	ssyncset.done $0x0  }
0xb6: {  	[sflag:s31] =	ssyncadd.s32 $0xFFFFFFF0  }
.LBB2_6:
0xb7: {  	_ =	sfence.sel $0x180000  }
0xb8: {  	[bflag:$0x0] =	sbarrier.arrive $0xFFFF  }
0xb9: {  	p0 =	sne.s32 s1, $0x0;
	_ =	strace $0x90000047  }
0xba: {  	s0 =	sadd.s32 @!p0 $0x100000, s0;
	[bflag:$0x2] =	sbarrier.arrive $0xFFFF  }
0xbb: {  	[sflag:s0] =	ssyncadd.tile.s32 @!p0 $0x1;
	_ =	shalt  }
.Lfunc_end2:
_tile_overlayer_lowered:
.L_overlay_start_2:
0xbc: {  	(tag) =	ssettag $0x2  }
0xbd: {  	s0 =	rddreg [dreg:$0x0];
	s2 =	stileid.u32  }
0xbe: {  	s1 =	rddreg [dreg:$0x1];
	p0 =	sne.s32 s2, $0x0  }
0xbf: {  	s3 =	rddreg [dreg:$0x2];
	[bflag:$0x3] =	sbarrier.arrive $0xFFFF;
	s2 =	simm.s32 @!p0 $0x1C01  }
0xc0: {  	[timem:s3], [sflag:s2] =	dma.local @!p0 [hbm:s0], s1  }
0xc1: {  	s0 =	simm.s32 @!p0 $0x1  }
0xc2: {  	_ =	swait.ge @!p0 [sflag:s0], s1  }
0xc3: {  	s1 =	ssub.s32 @!p0 $0x0, s1;
	[sflag:s0] =	ssyncset.done @!p0 $0x0  }
0xc4: {  	[sflag:s0] =	ssyncadd.s32 @!p0 s1  }
0xc5: {  	[bflag:$0x3] =	sbarrier.arrive $0xFFFF  }
0xc6: {  	_ =	shalt  }

</sc_bundles>
